<compile_context>
chip_gen: v7x
topology: tpu7x:2x2x1
jax: 0.10.2.dev20260603
libtpu: 0.0.44.dev20260713+nightly
codegen_flags: <defaults>
</compile_context>

<pallas_src>
import functools

import jax
import jax.numpy as jnp
from jax import lax
from jax.experimental import pallas as pl
from jax.experimental.pallas import tpu as pltpu
from jax.experimental.pallas import tpu_sc as plsc

B, J, V = 32, 8, 32768
SPLIT = 16384
SC_COLS = V - SPLIT
VC = 2048
NCHUNK_TC = SPLIT // VC
CH = 2048
NCH_SC = SC_COLS // CH
NGRP = CH // 16
NC, NS = 2, 16



def _tc_body(a_ref, e_ref, logits_ref, stddev_ref, bestv_ref, besti_ref,
             macc_ref, cidx_ref):
    j = pl.program_id(0)

    a = a_ref[...]
    e = e_ref[...]

    m = jnp.min(a, axis=1)
    iota_j = jax.lax.broadcasted_iota(jnp.int32, (B, J, VC), 1)
    jsel = jnp.min(jnp.where(a == m[:, None, :], iota_j, J), axis=1)
    s = jnp.sum(jnp.where(iota_j == jsel[:, None, :], e, 0.0), axis=1)
    logits_ref[...] = m
    stddev_ref[...] = s

    @pl.when(j == 0)
    def _():
        macc_ref[...] = a
        cidx_ref[...] = jnp.zeros((B, J, VC), jnp.int32)

    @pl.when(j > 0)
    def _():
        upd = a > macc_ref[...]
        macc_ref[...] = jnp.where(upd, a, macc_ref[...])
        cidx_ref[...] = jnp.where(upd, j, cidx_ref[...])

    @pl.when(j == NCHUNK_TC - 1)
    def _():
        macc = macc_ref[...]
        cm = jnp.max(macc, axis=2)
        lane = jax.lax.broadcasted_iota(jnp.int32, (B, J, VC), 2)
        gidx = cidx_ref[...] * VC + lane
        bestv_ref[...] = cm
        besti_ref[...] = jnp.min(
            jnp.where(macc == cm[:, :, None], gidx, V), axis=2)


def _tc_head(action, explore_rate):
    return pl.pallas_call(
        _tc_body,
        grid=(NCHUNK_TC,),
        in_specs=[
            pl.BlockSpec((B, J, VC), lambda j: (0, 0, j)),
            pl.BlockSpec((B, J, VC), lambda j: (0, 0, j)),
        ],
        out_specs=[
            pl.BlockSpec((B, VC), lambda j: (0, j)),
            pl.BlockSpec((B, VC), lambda j: (0, j)),
            pl.BlockSpec((B, J), lambda j: (0, 0)),
            pl.BlockSpec((B, J), lambda j: (0, 0)),
        ],
        out_shape=[
            jax.ShapeDtypeStruct((B, SPLIT), jnp.float32),
            jax.ShapeDtypeStruct((B, SPLIT), jnp.float32),
            jax.ShapeDtypeStruct((B, J), jnp.float32),
            jax.ShapeDtypeStruct((B, J), jnp.int32),
        ],
        scratch_shapes=[
            pltpu.VMEM((B, J, VC), jnp.float32),
            pltpu.VMEM((B, J, VC), jnp.int32),
        ],
        compiler_params=pltpu.CompilerParams(
            dimension_semantics=("arbitrary",),
        ),
    )(action, explore_rate)



def _sc_tail(action, explore_rate):
    mesh = plsc.VectorSubcoreMesh(core_axis_name="c", subcore_axis_name="s")

    @functools.partial(
        pl.kernel,
        out_type=[
            jax.ShapeDtypeStruct((B, SC_COLS), jnp.float32),
            jax.ShapeDtypeStruct((B, SC_COLS), jnp.float32),
            jax.ShapeDtypeStruct((B, J, 16), jnp.float32),
            jax.ShapeDtypeStruct((B, J, 16), jnp.int32),
        ],
        mesh=mesh,
        scratch_types=[
            pltpu.VMEM((J, CH), jnp.float32),
            pltpu.VMEM((J, CH), jnp.float32),
            pltpu.VMEM((CH,), jnp.float32),
            pltpu.VMEM((CH,), jnp.float32),
            pltpu.VMEM((J, 16), jnp.float32),
            pltpu.VMEM((J, 16), jnp.int32),
        ],
    )
    def sc_kernel(a_hbm, e_hbm, logits_hbm, stddev_hbm, mv_hbm, mi_hbm,
                  a_v, e_v, m_v, s_v, rm_v, ri_v):
        b = lax.axis_index("s") * NC + lax.axis_index("c")
        lane = jax.lax.broadcasted_iota(jnp.int32, (16,), 0)

        for jj in range(J):
            rm_v[jj, :] = jnp.full((16,), -jnp.inf, jnp.float32)
            ri_v[jj, :] = jnp.zeros((16,), jnp.int32)

        @pl.loop(0, NCH_SC)
        def _(c):
            off = SPLIT + c * CH
            pltpu.sync_copy(a_hbm.at[b, :, pl.ds(off, CH)], a_v)
            pltpu.sync_copy(e_hbm.at[b, :, pl.ds(off, CH)], e_v)

            rm0 = [rm_v[jj, :] for jj in range(J)]
            ri0 = [ri_v[jj, :] for jj in range(J)]

            def group(g, carry):
                rm, ri = carry
                col = g * 16
                idx0 = off + col + lane
                a0 = a_v[0, pl.ds(col, 16)]
                m = a0
                s = e_v[0, pl.ds(col, 16)]
                u0 = a0 > rm[0]
                new_rm = [jnp.where(u0, a0, rm[0])]
                new_ri = [jnp.where(u0, idx0, ri[0])]
                for jj in range(1, J):
                    aj = a_v[jj, pl.ds(col, 16)]
                    upd = aj < m
                    m = jnp.where(upd, aj, m)
                    s = jnp.where(upd, e_v[jj, pl.ds(col, 16)], s)
                    uj = aj > rm[jj]
                    new_rm.append(jnp.where(uj, aj, rm[jj]))
                    new_ri.append(jnp.where(uj, idx0, ri[jj]))
                m_v[pl.ds(col, 16)] = m
                s_v[pl.ds(col, 16)] = s
                return new_rm, new_ri

            rm, ri = lax.fori_loop(0, NGRP, group, (rm0, ri0))
            for jj in range(J):
                rm_v[jj, :] = rm[jj]
                ri_v[jj, :] = ri[jj]

            pltpu.sync_copy(m_v, logits_hbm.at[b, pl.ds(c * CH, CH)])
            pltpu.sync_copy(s_v, stddev_hbm.at[b, pl.ds(c * CH, CH)])

        pltpu.sync_copy(rm_v, mv_hbm.at[b])
        pltpu.sync_copy(ri_v, mi_hbm.at[b])

    return sc_kernel(action, explore_rate)



def _merge_body(tv_ref, ti_ref, sv_ref, si_ref, best_ref):
    sv = sv_ref[...]
    si = si_ref[...]
    scm = jnp.max(sv, axis=2)
    sci = jnp.min(jnp.where(sv == scm[:, :, None], si, V), axis=2)
    best_ref[...] = jnp.where(scm > tv_ref[...], sci, ti_ref[...])


def _merge(tv, ti, sv, si):
    return pl.pallas_call(
        _merge_body,
        out_shape=jax.ShapeDtypeStruct((B, J), jnp.int32),
    )(tv, ti, sv, si)


@jax.jit
def kernel(action, explore_rate):
    lg_sc, sd_sc, sv, si = _sc_tail(action, explore_rate)
    lg_tc, sd_tc, tv, ti = _tc_head(action, explore_rate)
    best2d = _merge(tv, ti, sv, si)
    logits = jnp.concatenate([lg_tc, lg_sc], axis=1)
    stddev = jnp.concatenate([sd_tc, sd_sc], axis=1)
    return logits, stddev, best2d[:, None, :]

# --- scband reference (transcript-rebuilt; emitter-appended) ---
"""Pipeline reference for scband-monte-carlo-creator-46651934769841 (READ-ONLY COPY).

The authoritative reference and input builder live on the scoring server;
editing this copy changes nothing except your own understanding.
"""

import jax, jax.numpy as jnp
import numpy as np


def setup_inputs(seed: int = 0) -> dict:
    key = jax.random.key(seed)
    k1, k2 = jax.random.split(key)
    action = jax.random.normal(k1, (32, 8, 32768), dtype=jnp.float32)
    explore_rate = jax.random.uniform(k2, (32, 8, 32768), dtype=jnp.float32)
    return {"action": action, "explore_rate": explore_rate}


def reference(action, explore_rate):
    # MonteCarloCreator.forward(action, explore_rate) with discrete=True:
    #   Explore (MonteCarloPolicy.forward):
    #     logits, ind = mean.min(1)
    #     stddev = gather(stddev, ind.unsqueeze(1), dim=1).squeeze(1)
    #     -> parameters of NormalizedCategorical(logits=logits, temp=stddev)
    #   Exploit (BestPolicy.forward):
    #     best = actions.argmax(-1, keepdim=True).transpose(-1, -2)
    logits = jnp.min(action, axis=1)                      # [B, V]
    ind = jnp.argmin(action, axis=1)                      # [B, V] int
    stddev = jnp.take_along_axis(explore_rate, ind[:, None, :], axis=1)
    stddev = jnp.squeeze(stddev, axis=1)                  # [B, V]
    best = jnp.swapaxes(jnp.argmax(action, axis=-1, keepdims=True), -1, -2)  # [B, 1, S]
    return logits, stddev, best

if __name__ == "__main__":
    import jax
    _d = setup_inputs()
    print(jax.jit(kernel)(*tuple(_d.values())))

</pallas_src>

<mosaic_0001>
#map = affine_map<(d0, d1) -> (0, 0, 0)>
#map1 = affine_map<(d0, d1) -> (0, 0)>
module attributes {stable_mosaic.version = 14 : i64} {
  func.func @sc_kernel(%arg0: i32, %arg1: i32, %arg2: memref<32x8x32768xf32, #tpu.memory_space<hbm>>, %arg3: memref<32x8x32768xf32, #tpu.memory_space<hbm>>, %arg4: memref<32x16384xf32, #tpu.memory_space<hbm>>, %arg5: memref<32x16384xf32, #tpu.memory_space<hbm>>, %arg6: memref<32x8x16xf32, #tpu.memory_space<hbm>>, %arg7: memref<32x8x16xi32, #tpu.memory_space<hbm>>, %arg8: memref<8x2048xf32, #tpu.memory_space<vmem>>, %arg9: memref<8x2048xf32, #tpu.memory_space<vmem>>, %arg10: memref<2048xf32, #tpu.memory_space<vmem>>, %arg11: memref<2048xf32, #tpu.memory_space<vmem>>, %arg12: memref<8x16xf32, #tpu.memory_space<vmem>>, %arg13: memref<8x16xi32, #tpu.memory_space<vmem>>) attributes {dimension_semantics = [#tpu.dimension_semantics<core_parallel>, #tpu.dimension_semantics<subcore_parallel>], iteration_bounds = array<i64: 2, 16>, scalar_prefetch = 0 : i64, scratch_operands = 6 : i64, tpu.core_type = #tpu.core_type<sc_vector_subcore>, window_params = [{transform_indices = #map}, {transform_indices = #map}, {transform_indices = #map1}, {transform_indices = #map1}, {transform_indices = #map}, {transform_indices = #map}]} {
    %mul3A = arith.constant 2 : i32
    %mul3A_0 = arith.muli %arg1, %mul3A : i32
    %add3A = arith.addi %mul3A_0, %arg0 : i32
    %iota3A = tpu.iota {dimensions = array<i32: 0>} : vector<16xi32>
    %broadcast_in_dim3A = arith.constant 0xFF800000 : f32
    %broadcast_in_dim3A_1 = vector.broadcast %broadcast_in_dim3A : f32 to vector<16xf32>
    %swap3A = arith.constant 0 : i32
    %swap3A_2 = arith.index_cast %swap3A : i32 to index
    %swap3A_3 = arith.constant 0 : index
    %swap3A_4 = tpu.vector_load %arg12[%swap3A_2, %swap3A_3] {strides = array<i32>} : memref<8x16xf32, #tpu.memory_space<vmem>>, vector<1x16xf32>,
    %swap3A_5 = vector.shape_cast %swap3A_4 : vector<1x16xf32> to vector<16xf32>
    %swap3A_6 = vector.shape_cast %broadcast_in_dim3A_1 : vector<16xf32> to vector<1x16xf32>
    tpu.vector_store %arg12[%swap3A_2, %swap3A_3], %swap3A_6 {strides = array<i32>} : memref<8x16xf32, #tpu.memory_space<vmem>>, vector<1x16xf32>,
    %broadcast_in_dim3A_7 = arith.constant 0 : i32
    %broadcast_in_dim3A_8 = vector.broadcast %broadcast_in_dim3A_7 : i32 to vector<16xi32>
    %swap3A_9 = arith.constant 0 : i32
    %swap3A_10 = arith.index_cast %swap3A_9 : i32 to index
    %swap3A_11 = arith.constant 0 : index
    %swap3A_12 = tpu.vector_load %arg13[%swap3A_10, %swap3A_11] {strides = array<i32>} : memref<8x16xi32, #tpu.memory_space<vmem>>, vector<1x16xi32>,
    %swap3A_13 = vector.shape_cast %swap3A_12 : vector<1x16xi32> to vector<16xi32>
    %swap3A_14 = vector.shape_cast %broadcast_in_dim3A_8 : vector<16xi32> to vector<1x16xi32>
    tpu.vector_store %arg13[%swap3A_10, %swap3A_11], %swap3A_14 {strides = array<i32>} : memref<8x16xi32, #tpu.memory_space<vmem>>, vector<1x16xi32>,
    %broadcast_in_dim3A_15 = arith.constant 0xFF800000 : f32
    %broadcast_in_dim3A_16 = vector.broadcast %broadcast_in_dim3A_15 : f32 to vector<16xf32>
    %swap3A_17 = arith.constant 1 : i32
    %swap3A_18 = arith.index_cast %swap3A_17 : i32 to index
    %swap3A_19 = arith.constant 0 : index
    %swap3A_20 = tpu.vector_load %arg12[%swap3A_18, %swap3A_19] {strides = array<i32>} : memref<8x16xf32, #tpu.memory_space<vmem>>, vector<1x16xf32>,
    %swap3A_21 = vector.shape_cast %swap3A_20 : vector<1x16xf32> to vector<16xf32>
    %swap3A_22 = vector.shape_cast %broadcast_in_dim3A_16 : vector<16xf32> to vector<1x16xf32>
    tpu.vector_store %arg12[%swap3A_18, %swap3A_19], %swap3A_22 {strides = array<i32>} : memref<8x16xf32, #tpu.memory_space<vmem>>, vector<1x16xf32>,
    %broadcast_in_dim3A_23 = arith.constant 0 : i32
    %broadcast_in_dim3A_24 = vector.broadcast %broadcast_in_dim3A_23 : i32 to vector<16xi32>
    %swap3A_25 = arith.constant 1 : i32
    %swap3A_26 = arith.index_cast %swap3A_25 : i32 to index
    %swap3A_27 = arith.constant 0 : index
    %swap3A_28 = tpu.vector_load %arg13[%swap3A_26, %swap3A_27] {strides = array<i32>} : memref<8x16xi32, #tpu.memory_space<vmem>>, vector<1x16xi32>,
    %swap3A_29 = vector.shape_cast %swap3A_28 : vector<1x16xi32> to vector<16xi32>
    %swap3A_30 = vector.shape_cast %broadcast_in_dim3A_24 : vector<16xi32> to vector<1x16xi32>
    tpu.vector_store %arg13[%swap3A_26, %swap3A_27], %swap3A_30 {strides = array<i32>} : memref<8x16xi32, #tpu.memory_space<vmem>>, vector<1x16xi32>,
    %broadcast_in_dim3A_31 = arith.constant 0xFF800000 : f32
    %broadcast_in_dim3A_32 = vector.broadcast %broadcast_in_dim3A_31 : f32 to vector<16xf32>
    %swap3A_33 = arith.constant 2 : i32
    %swap3A_34 = arith.index_cast %swap3A_33 : i32 to index
    %swap3A_35 = arith.constant 0 : index
    %swap3A_36 = tpu.vector_load %arg12[%swap3A_34, %swap3A_35] {strides = array<i32>} : memref<8x16xf32, #tpu.memory_space<vmem>>, vector<1x16xf32>,
    %swap3A_37 = vector.shape_cast %swap3A_36 : vector<1x16xf32> to vector<16xf32>
    %swap3A_38 = vector.shape_cast %broadcast_in_dim3A_32 : vector<16xf32> to vector<1x16xf32>
    tpu.vector_store %arg12[%swap3A_34, %swap3A_35], %swap3A_38 {strides = array<i32>} : memref<8x16xf32, #tpu.memory_space<vmem>>, vector<1x16xf32>,
    %broadcast_in_dim3A_39 = arith.constant 0 : i32
    %broadcast_in_dim3A_40 = vector.broadcast %broadcast_in_dim3A_39 : i32 to vector<16xi32>
    %swap3A_41 = arith.constant 2 : i32
    %swap3A_42 = arith.index_cast %swap3A_41 : i32 to index
    %swap3A_43 = arith.constant 0 : index
    %swap3A_44 = tpu.vector_load %arg13[%swap3A_42, %swap3A_43] {strides = array<i32>} : memref<8x16xi32, #tpu.memory_space<vmem>>, vector<1x16xi32>,
    %swap3A_45 = vector.shape_cast %swap3A_44 : vector<1x16xi32> to vector<16xi32>
    %swap3A_46 = vector.shape_cast %broadcast_in_dim3A_40 : vector<16xi32> to vector<1x16xi32>
    tpu.vector_store %arg13[%swap3A_42, %swap3A_43], %swap3A_46 {strides = array<i32>} : memref<8x16xi32, #tpu.memory_space<vmem>>, vector<1x16xi32>,
    %broadcast_in_dim3A_47 = arith.constant 0xFF800000 : f32
    %broadcast_in_dim3A_48 = vector.broadcast %broadcast_in_dim3A_47 : f32 to vector<16xf32>
    %swap3A_49 = arith.constant 3 : i32
    %swap3A_50 = arith.index_cast %swap3A_49 : i32 to index
    %swap3A_51 = arith.constant 0 : index
    %swap3A_52 = tpu.vector_load %arg12[%swap3A_50, %swap3A_51] {strides = array<i32>} : memref<8x16xf32, #tpu.memory_space<vmem>>, vector<1x16xf32>,
    %swap3A_53 = vector.shape_cast %swap3A_52 : vector<1x16xf32> to vector<16xf32>
    %swap3A_54 = vector.shape_cast %broadcast_in_dim3A_48 : vector<16xf32> to vector<1x16xf32>
    tpu.vector_store %arg12[%swap3A_50, %swap3A_51], %swap3A_54 {strides = array<i32>} : memref<8x16xf32, #tpu.memory_space<vmem>>, vector<1x16xf32>,
    %broadcast_in_dim3A_55 = arith.constant 0 : i32
    %broadcast_in_dim3A_56 = vector.broadcast %broadcast_in_dim3A_55 : i32 to vector<16xi32>
    %swap3A_57 = arith.constant 3 : i32
    %swap3A_58 = arith.index_cast %swap3A_57 : i32 to index
    %swap3A_59 = arith.constant 0 : index
    %swap3A_60 = tpu.vector_load %arg13[%swap3A_58, %swap3A_59] {strides = array<i32>} : memref<8x16xi32, #tpu.memory_space<vmem>>, vector<1x16xi32>,
    %swap3A_61 = vector.shape_cast %swap3A_60 : vector<1x16xi32> to vector<16xi32>
    %swap3A_62 = vector.shape_cast %broadcast_in_dim3A_56 : vector<16xi32> to vector<1x16xi32>
    tpu.vector_store %arg13[%swap3A_58, %swap3A_59], %swap3A_62 {strides = array<i32>} : memref<8x16xi32, #tpu.memory_space<vmem>>, vector<1x16xi32>,
    %broadcast_in_dim3A_63 = arith.constant 0xFF800000 : f32
    %broadcast_in_dim3A_64 = vector.broadcast %broadcast_in_dim3A_63 : f32 to vector<16xf32>
    %swap3A_65 = arith.constant 4 : i32
    %swap3A_66 = arith.index_cast %swap3A_65 : i32 to index
    %swap3A_67 = arith.constant 0 : index
    %swap3A_68 = tpu.vector_load %arg12[%swap3A_66, %swap3A_67] {strides = array<i32>} : memref<8x16xf32, #tpu.memory_space<vmem>>, vector<1x16xf32>,
    %swap3A_69 = vector.shape_cast %swap3A_68 : vector<1x16xf32> to vector<16xf32>
    %swap3A_70 = vector.shape_cast %broadcast_in_dim3A_64 : vector<16xf32> to vector<1x16xf32>
    tpu.vector_store %arg12[%swap3A_66, %swap3A_67], %swap3A_70 {strides = array<i32>} : memref<8x16xf32, #tpu.memory_space<vmem>>, vector<1x16xf32>,
    %broadcast_in_dim3A_71 = arith.constant 0 : i32
    %broadcast_in_dim3A_72 = vector.broadcast %broadcast_in_dim3A_71 : i32 to vector<16xi32>
    %swap3A_73 = arith.constant 4 : i32
    %swap3A_74 = arith.index_cast %swap3A_73 : i32 to index
    %swap3A_75 = arith.constant 0 : index
    %swap3A_76 = tpu.vector_load %arg13[%swap3A_74, %swap3A_75] {strides = array<i32>} : memref<8x16xi32, #tpu.memory_space<vmem>>, vector<1x16xi32>,
    %swap3A_77 = vector.shape_cast %swap3A_76 : vector<1x16xi32> to vector<16xi32>
    %swap3A_78 = vector.shape_cast %broadcast_in_dim3A_72 : vector<16xi32> to vector<1x16xi32>
    tpu.vector_store %arg13[%swap3A_74, %swap3A_75], %swap3A_78 {strides = array<i32>} : memref<8x16xi32, #tpu.memory_space<vmem>>, vector<1x16xi32>,
    %broadcast_in_dim3A_79 = arith.constant 0xFF800000 : f32
    %broadcast_in_dim3A_80 = vector.broadcast %broadcast_in_dim3A_79 : f32 to vector<16xf32>
    %swap3A_81 = arith.constant 5 : i32
    %swap3A_82 = arith.index_cast %swap3A_81 : i32 to index
    %swap3A_83 = arith.constant 0 : index
    %swap3A_84 = tpu.vector_load %arg12[%swap3A_82, %swap3A_83] {strides = array<i32>} : memref<8x16xf32, #tpu.memory_space<vmem>>, vector<1x16xf32>,
    %swap3A_85 = vector.shape_cast %swap3A_84 : vector<1x16xf32> to vector<16xf32>
    %swap3A_86 = vector.shape_cast %broadcast_in_dim3A_80 : vector<16xf32> to vector<1x16xf32>
    tpu.vector_store %arg12[%swap3A_82, %swap3A_83], %swap3A_86 {strides = array<i32>} : memref<8x16xf32, #tpu.memory_space<vmem>>, vector<1x16xf32>,
    %broadcast_in_dim3A_87 = arith.constant 0 : i32
    %broadcast_in_dim3A_88 = vector.broadcast %broadcast_in_dim3A_87 : i32 to vector<16xi32>
    %swap3A_89 = arith.constant 5 : i32
    %swap3A_90 = arith.index_cast %swap3A_89 : i32 to index
    %swap3A_91 = arith.constant 0 : index
    %swap3A_92 = tpu.vector_load %arg13[%swap3A_90, %swap3A_91] {strides = array<i32>} : memref<8x16xi32, #tpu.memory_space<vmem>>, vector<1x16xi32>,
    %swap3A_93 = vector.shape_cast %swap3A_92 : vector<1x16xi32> to vector<16xi32>
    %swap3A_94 = vector.shape_cast %broadcast_in_dim3A_88 : vector<16xi32> to vector<1x16xi32>
    tpu.vector_store %arg13[%swap3A_90, %swap3A_91], %swap3A_94 {strides = array<i32>} : memref<8x16xi32, #tpu.memory_space<vmem>>, vector<1x16xi32>,
    %broadcast_in_dim3A_95 = arith.constant 0xFF800000 : f32
    %broadcast_in_dim3A_96 = vector.broadcast %broadcast_in_dim3A_95 : f32 to vector<16xf32>
    %swap3A_97 = arith.constant 6 : i32
    %swap3A_98 = arith.index_cast %swap3A_97 : i32 to index
    %swap3A_99 = arith.constant 0 : index
    %swap3A_100 = tpu.vector_load %arg12[%swap3A_98, %swap3A_99] {strides = array<i32>} : memref<8x16xf32, #tpu.memory_space<vmem>>, vector<1x16xf32>,
    %swap3A_101 = vector.shape_cast %swap3A_100 : vector<1x16xf32> to vector<16xf32>
    %swap3A_102 = vector.shape_cast %broadcast_in_dim3A_96 : vector<16xf32> to vector<1x16xf32>
    tpu.vector_store %arg12[%swap3A_98, %swap3A_99], %swap3A_102 {strides = array<i32>} : memref<8x16xf32, #tpu.memory_space<vmem>>, vector<1x16xf32>,
    %broadcast_in_dim3A_103 = arith.constant 0 : i32
    %broadcast_in_dim3A_104 = vector.broadcast %broadcast_in_dim3A_103 : i32 to vector<16xi32>
    %swap3A_105 = arith.constant 6 : i32
    %swap3A_106 = arith.index_cast %swap3A_105 : i32 to index
    %swap3A_107 = arith.constant 0 : index
    %swap3A_108 = tpu.vector_load %arg13[%swap3A_106, %swap3A_107] {strides = array<i32>} : memref<8x16xi32, #tpu.memory_space<vmem>>, vector<1x16xi32>,
    %swap3A_109 = vector.shape_cast %swap3A_108 : vector<1x16xi32> to vector<16xi32>
    %swap3A_110 = vector.shape_cast %broadcast_in_dim3A_104 : vector<16xi32> to vector<1x16xi32>
    tpu.vector_store %arg13[%swap3A_106, %swap3A_107], %swap3A_110 {strides = array<i32>} : memref<8x16xi32, #tpu.memory_space<vmem>>, vector<1x16xi32>,
    %broadcast_in_dim3A_111 = arith.constant 0xFF800000 : f32
    %broadcast_in_dim3A_112 = vector.broadcast %broadcast_in_dim3A_111 : f32 to vector<16xf32>
    %swap3A_113 = arith.constant 7 : i32
    %swap3A_114 = arith.index_cast %swap3A_113 : i32 to index
    %swap3A_115 = arith.constant 0 : index
    %swap3A_116 = tpu.vector_load %arg12[%swap3A_114, %swap3A_115] {strides = array<i32>} : memref<8x16xf32, #tpu.memory_space<vmem>>, vector<1x16xf32>,
    %swap3A_117 = vector.shape_cast %swap3A_116 : vector<1x16xf32> to vector<16xf32>
    %swap3A_118 = vector.shape_cast %broadcast_in_dim3A_112 : vector<16xf32> to vector<1x16xf32>
    tpu.vector_store %arg12[%swap3A_114, %swap3A_115], %swap3A_118 {strides = array<i32>} : memref<8x16xf32, #tpu.memory_space<vmem>>, vector<1x16xf32>,
    %broadcast_in_dim3A_119 = arith.constant 0 : i32
    %broadcast_in_dim3A_120 = vector.broadcast %broadcast_in_dim3A_119 : i32 to vector<16xi32>
    %swap3A_121 = arith.constant 7 : i32
    %swap3A_122 = arith.index_cast %swap3A_121 : i32 to index
    %swap3A_123 = arith.constant 0 : index
    %swap3A_124 = tpu.vector_load %arg13[%swap3A_122, %swap3A_123] {strides = array<i32>} : memref<8x16xi32, #tpu.memory_space<vmem>>, vector<1x16xi32>,
    %swap3A_125 = vector.shape_cast %swap3A_124 : vector<1x16xi32> to vector<16xi32>
    %swap3A_126 = vector.shape_cast %broadcast_in_dim3A_120 : vector<16xi32> to vector<1x16xi32>
    tpu.vector_store %arg13[%swap3A_122, %swap3A_123], %swap3A_126 {strides = array<i32>} : memref<8x16xi32, #tpu.memory_space<vmem>>, vector<1x16xi32>,
    %scan3A = arith.constant 0 : i32
    %scan3A_127 = arith.constant 8 : i32
    %scan3A_128 = arith.addi %scan3A, %scan3A_127 : i32
    %scan3A_129 = arith.constant 1 : i32
    scf.for %scan3A_131 = %scan3A to %scan3A_128 step %scan3A_129  : i32 {
      %mul3A_132 = arith.constant 1 : i32
      %mul3A_133 = arith.muli %scan3A_131, %mul3A_132 : i32
      %add3A_134 = arith.constant 0 : i32
      %add3A_135 = arith.addi %add3A_134, %mul3A_133 : i32
      %mul3A_136 = arith.constant 2048 : i32
      %mul3A_137 = arith.muli %add3A_135, %mul3A_136 : i32
      %add3A_138 = arith.constant 16384 : i32
      %add3A_139 = arith.addi %add3A_138, %mul3A_137 : i32
      "tpu.region"() ({
        %run_scoped3A = tpu.sem_alloc : memref<!tpu.dma_semaphore, #tpu.memory_space<semaphore_mem>>
        %dma_start3A = arith.constant 0 : i32
        %dma_start3A_325 = tpu.memref_slice %arg2[%add3A, %dma_start3A, %add3A_139] : memref<32x8x32768xf32, #tpu.memory_space<hbm>> -> memref<1x8x2048xf32, #tpu.memory_space<hbm>>
        %dma_start3A_326 = tpu.memref_squeeze %dma_start3A_325 : memref<1x8x2048xf32, #tpu.memory_space<hbm>> -> memref<8x2048xf32, #tpu.memory_space<hbm>>
        %dma_start3A_327 = arith.constant 0 : i32
        %dma_start3A_328 = tpu.memref_slice %arg2[%add3A, %dma_start3A_327, %add3A_139] : memref<32x8x32768xf32, #tpu.memory_space<hbm>> -> memref<1x8x2048xf32, #tpu.memory_space<hbm>>
        %dma_start3A_329 = tpu.memref_squeeze %dma_start3A_328 : memref<1x8x2048xf32, #tpu.memory_space<hbm>> -> memref<8x2048xf32, #tpu.memory_space<hbm>>
        tpu.enqueue_dma source(%dma_start3A_329 : memref<8x2048xf32, #tpu.memory_space<hbm>>) target(%arg8 : memref<8x2048xf32, #tpu.memory_space<vmem>>) target_semaphore(%run_scoped3A : memref<!tpu.dma_semaphore, #tpu.memory_space<semaphore_mem>>)
        %dma_wait3A = arith.constant 0 : i32
        %dma_wait3A_330 = tpu.memref_slice %arg2[%add3A, %dma_wait3A, %add3A_139] : memref<32x8x32768xf32, #tpu.memory_space<hbm>> -> memref<1x8x2048xf32, #tpu.memory_space<hbm>>
        %dma_wait3A_331 = tpu.memref_squeeze %dma_wait3A_330 : memref<1x8x2048xf32, #tpu.memory_space<hbm>> -> memref<8x2048xf32, #tpu.memory_space<hbm>>
        %dma_wait3A_332 = arith.constant 0 : i32
        %dma_wait3A_333 = tpu.memref_slice %arg2[%add3A, %dma_wait3A_332, %add3A_139] : memref<32x8x32768xf32, #tpu.memory_space<hbm>> -> memref<1x8x2048xf32, #tpu.memory_space<hbm>>
        %dma_wait3A_334 = tpu.memref_squeeze %dma_wait3A_333 : memref<1x8x2048xf32, #tpu.memory_space<hbm>> -> memref<8x2048xf32, #tpu.memory_space<hbm>>
        tpu.wait_dma2 semaphore(%run_scoped3A : memref<!tpu.dma_semaphore, #tpu.memory_space<semaphore_mem>>) src(%dma_wait3A_334 : memref<8x2048xf32, #tpu.memory_space<hbm>>) dst(%arg8 : memref<8x2048xf32, #tpu.memory_space<vmem>>)
        tpu.yield
      }) : () -> ()
      "tpu.region"() ({
        %run_scoped3A = tpu.sem_alloc : memref<!tpu.dma_semaphore, #tpu.memory_space<semaphore_mem>>
        %dma_start3A = arith.constant 0 : i32
        %dma_start3A_325 = tpu.memref_slice %arg3[%add3A, %dma_start3A, %add3A_139] : memref<32x8x32768xf32, #tpu.memory_space<hbm>> -> memref<1x8x2048xf32, #tpu.memory_space<hbm>>
        %dma_start3A_326 = tpu.memref_squeeze %dma_start3A_325 : memref<1x8x2048xf32, #tpu.memory_space<hbm>> -> memref<8x2048xf32, #tpu.memory_space<hbm>>
        %dma_start3A_327 = arith.constant 0 : i32
        %dma_start3A_328 = tpu.memref_slice %arg3[%add3A, %dma_start3A_327, %add3A_139] : memref<32x8x32768xf32, #tpu.memory_space<hbm>> -> memref<1x8x2048xf32, #tpu.memory_space<hbm>>
        %dma_start3A_329 = tpu.memref_squeeze %dma_start3A_328 : memref<1x8x2048xf32, #tpu.memory_space<hbm>> -> memref<8x2048xf32, #tpu.memory_space<hbm>>
        tpu.enqueue_dma source(%dma_start3A_329 : memref<8x2048xf32, #tpu.memory_space<hbm>>) target(%arg9 : memref<8x2048xf32, #tpu.memory_space<vmem>>) target_semaphore(%run_scoped3A : memref<!tpu.dma_semaphore, #tpu.memory_space<semaphore_mem>>)
        %dma_wait3A = arith.constant 0 : i32
        %dma_wait3A_330 = tpu.memref_slice %arg3[%add3A, %dma_wait3A, %add3A_139] : memref<32x8x32768xf32, #tpu.memory_space<hbm>> -> memref<1x8x2048xf32, #tpu.memory_space<hbm>>
        %dma_wait3A_331 = tpu.memref_squeeze %dma_wait3A_330 : memref<1x8x2048xf32, #tpu.memory_space<hbm>> -> memref<8x2048xf32, #tpu.memory_space<hbm>>
        %dma_wait3A_332 = arith.constant 0 : i32
        %dma_wait3A_333 = tpu.memref_slice %arg3[%add3A, %dma_wait3A_332, %add3A_139] : memref<32x8x32768xf32, #tpu.memory_space<hbm>> -> memref<1x8x2048xf32, #tpu.memory_space<hbm>>
        %dma_wait3A_334 = tpu.memref_squeeze %dma_wait3A_333 : memref<1x8x2048xf32, #tpu.memory_space<hbm>> -> memref<8x2048xf32, #tpu.memory_space<hbm>>
        tpu.wait_dma2 semaphore(%run_scoped3A : memref<!tpu.dma_semaphore, #tpu.memory_space<semaphore_mem>>) src(%dma_wait3A_334 : memref<8x2048xf32, #tpu.memory_space<hbm>>) dst(%arg9 : memref<8x2048xf32, #tpu.memory_space<vmem>>)
        tpu.yield
      }) : () -> ()
      %get3A = arith.constant 0 : i32
      %get3A_140 = arith.index_cast %get3A : i32 to index
      %get3A_141 = arith.constant 0 : index
      %get3A_142 = tpu.vector_load %arg12[%get3A_140, %get3A_141] {strides = array<i32>} : memref<8x16xf32, #tpu.memory_space<vmem>>, vector<1x16xf32>,
      %get3A_143 = vector.shape_cast %get3A_142 : vector<1x16xf32> to vector<16xf32>
      %get3A_144 = arith.constant 1 : i32
      %get3A_145 = arith.index_cast %get3A_144 : i32 to index
      %get3A_146 = arith.constant 0 : index
      %get3A_147 = tpu.vector_load %arg12[%get3A_145, %get3A_146] {strides = array<i32>} : memref<8x16xf32, #tpu.memory_space<vmem>>, vector<1x16xf32>,
      %get3A_148 = vector.shape_cast %get3A_147 : vector<1x16xf32> to vector<16xf32>
      %get3A_149 = arith.constant 2 : i32
      %get3A_150 = arith.index_cast %get3A_149 : i32 to index
      %get3A_151 = arith.constant 0 : index
      %get3A_152 = tpu.vector_load %arg12[%get3A_150, %get3A_151] {strides = array<i32>} : memref<8x16xf32, #tpu.memory_space<vmem>>, vector<1x16xf32>,
      %get3A_153 = vector.shape_cast %get3A_152 : vector<1x16xf32> to vector<16xf32>
      %get3A_154 = arith.constant 3 : i32
      %get3A_155 = arith.index_cast %get3A_154 : i32 to index
      %get3A_156 = arith.constant 0 : index
      %get3A_157 = tpu.vector_load %arg12[%get3A_155, %get3A_156] {strides = array<i32>} : memref<8x16xf32, #tpu.memory_space<vmem>>, vector<1x16xf32>,
      %get3A_158 = vector.shape_cast %get3A_157 : vector<1x16xf32> to vector<16xf32>
      %get3A_159 = arith.constant 4 : i32
      %get3A_160 = arith.index_cast %get3A_159 : i32 to index
      %get3A_161 = arith.constant 0 : index
      %get3A_162 = tpu.vector_load %arg12[%get3A_160, %get3A_161] {strides = array<i32>} : memref<8x16xf32, #tpu.memory_space<vmem>>, vector<1x16xf32>,
      %get3A_163 = vector.shape_cast %get3A_162 : vector<1x16xf32> to vector<16xf32>
      %get3A_164 = arith.constant 5 : i32
      %get3A_165 = arith.index_cast %get3A_164 : i32 to index
      %get3A_166 = arith.constant 0 : index
      %get3A_167 = tpu.vector_load %arg12[%get3A_165, %get3A_166] {strides = array<i32>} : memref<8x16xf32, #tpu.memory_space<vmem>>, vector<1x16xf32>,
      %get3A_168 = vector.shape_cast %get3A_167 : vector<1x16xf32> to vector<16xf32>
      %get3A_169 = arith.constant 6 : i32
      %get3A_170 = arith.index_cast %get3A_169 : i32 to index
      %get3A_171 = arith.constant 0 : index
      %get3A_172 = tpu.vector_load %arg12[%get3A_170, %get3A_171] {strides = array<i32>} : memref<8x16xf32, #tpu.memory_space<vmem>>, vector<1x16xf32>,
      %get3A_173 = vector.shape_cast %get3A_172 : vector<1x16xf32> to vector<16xf32>
      %get3A_174 = arith.constant 7 : i32
      %get3A_175 = arith.index_cast %get3A_174 : i32 to index
      %get3A_176 = arith.constant 0 : index
      %get3A_177 = tpu.vector_load %arg12[%get3A_175, %get3A_176] {strides = array<i32>} : memref<8x16xf32, #tpu.memory_space<vmem>>, vector<1x16xf32>,
      %get3A_178 = vector.shape_cast %get3A_177 : vector<1x16xf32> to vector<16xf32>
      %get3A_179 = arith.constant 0 : i32
      %get3A_180 = arith.index_cast %get3A_179 : i32 to index
      %get3A_181 = arith.constant 0 : index
      %get3A_182 = tpu.vector_load %arg13[%get3A_180, %get3A_181] {strides = array<i32>} : memref<8x16xi32, #tpu.memory_space<vmem>>, vector<1x16xi32>,
      %get3A_183 = vector.shape_cast %get3A_182 : vector<1x16xi32> to vector<16xi32>
      %get3A_184 = arith.constant 1 : i32
      %get3A_185 = arith.index_cast %get3A_184 : i32 to index
      %get3A_186 = arith.constant 0 : index
      %get3A_187 = tpu.vector_load %arg13[%get3A_185, %get3A_186] {strides = array<i32>} : memref<8x16xi32, #tpu.memory_space<vmem>>, vector<1x16xi32>,
      %get3A_188 = vector.shape_cast %get3A_187 : vector<1x16xi32> to vector<16xi32>
      %get3A_189 = arith.constant 2 : i32
      %get3A_190 = arith.index_cast %get3A_189 : i32 to index
      %get3A_191 = arith.constant 0 : index
      %get3A_192 = tpu.vector_load %arg13[%get3A_190, %get3A_191] {strides = array<i32>} : memref<8x16xi32, #tpu.memory_space<vmem>>, vector<1x16xi32>,
      %get3A_193 = vector.shape_cast %get3A_192 : vector<1x16xi32> to vector<16xi32>
      %get3A_194 = arith.constant 3 : i32
      %get3A_195 = arith.index_cast %get3A_194 : i32 to index
      %get3A_196 = arith.constant 0 : index
      %get3A_197 = tpu.vector_load %arg13[%get3A_195, %get3A_196] {strides = array<i32>} : memref<8x16xi32, #tpu.memory_space<vmem>>, vector<1x16xi32>,
      %get3A_198 = vector.shape_cast %get3A_197 : vector<1x16xi32> to vector<16xi32>
      %get3A_199 = arith.constant 4 : i32
      %get3A_200 = arith.index_cast %get3A_199 : i32 to index
      %get3A_201 = arith.constant 0 : index
      %get3A_202 = tpu.vector_load %arg13[%get3A_200, %get3A_201] {strides = array<i32>} : memref<8x16xi32, #tpu.memory_space<vmem>>, vector<1x16xi32>,
      %get3A_203 = vector.shape_cast %get3A_202 : vector<1x16xi32> to vector<16xi32>
      %get3A_204 = arith.constant 5 : i32
      %get3A_205 = arith.index_cast %get3A_204 : i32 to index
      %get3A_206 = arith.constant 0 : index
      %get3A_207 = tpu.vector_load %arg13[%get3A_205, %get3A_206] {strides = array<i32>} : memref<8x16xi32, #tpu.memory_space<vmem>>, vector<1x16xi32>,
      %get3A_208 = vector.shape_cast %get3A_207 : vector<1x16xi32> to vector<16xi32>
      %get3A_209 = arith.constant 6 : i32
      %get3A_210 = arith.index_cast %get3A_209 : i32 to index
      %get3A_211 = arith.constant 0 : index
      %get3A_212 = tpu.vector_load %arg13[%get3A_210, %get3A_211] {strides = array<i32>} : memref<8x16xi32, #tpu.memory_space<vmem>>, vector<1x16xi32>,
      %get3A_213 = vector.shape_cast %get3A_212 : vector<1x16xi32> to vector<16xi32>
      %get3A_214 = arith.constant 7 : i32
      %get3A_215 = arith.index_cast %get3A_214 : i32 to index
      %get3A_216 = arith.constant 0 : index
      %get3A_217 = tpu.vector_load %arg13[%get3A_215, %get3A_216] {strides = array<i32>} : memref<8x16xi32, #tpu.memory_space<vmem>>, vector<1x16xi32>,
      %get3A_218 = vector.shape_cast %get3A_217 : vector<1x16xi32> to vector<16xi32>
      %scan3A_219 = arith.constant 0 : i32
      %scan3A_220 = arith.constant 128 : i32
      %scan3A_221 = arith.addi %scan3A_219, %scan3A_220 : i32
      %scan3A_222 = arith.constant 1 : i32
      %scan3A_223:16 = scf.for %scan3A_325 = %scan3A_219 to %scan3A_221 step %scan3A_222 iter_args(%scan3A_326 = %get3A_143, %scan3A_327 = %get3A_148, %scan3A_328 = %get3A_153, %scan3A_329 = %get3A_158, %scan3A_330 = %get3A_163, %scan3A_331 = %get3A_168, %scan3A_332 = %get3A_173, %scan3A_333 = %get3A_178, %scan3A_334 = %get3A_183, %scan3A_335 = %get3A_188, %scan3A_336 = %get3A_193, %scan3A_337 = %get3A_198, %scan3A_338 = %get3A_203, %scan3A_339 = %get3A_208, %scan3A_340 = %get3A_213, %scan3A_341 = %get3A_218) -> (vector<16xf32>, vector<16xf32>, vector<16xf32>, vector<16xf32>, vector<16xf32>, vector<16xf32>, vector<16xf32>, vector<16xf32>, vector<16xi32>, vector<16xi32>, vector<16xi32>, vector<16xi32>, vector<16xi32>, vector<16xi32>, vector<16xi32>, vector<16xi32>)  : i32 {
        %mul3A_342 = arith.constant 16 : i32
        %mul3A_343 = arith.muli %scan3A_325, %mul3A_342 : i32
        %add3A_344 = arith.addi %add3A_139, %mul3A_343 : i32
        %add3A_345 = vector.broadcast %add3A_344 : i32 to vector<16xi32>
        %add3A_346 = arith.addi %add3A_345, %iota3A : vector<16xi32>
        %get3A_347 = arith.constant 0 : i32
        %get3A_348 = arith.index_cast %get3A_347 : i32 to index
        %get3A_349 = arith.index_cast %mul3A_343 : i32 to index
        %get3A_350 = tpu.vector_load %arg8[%get3A_348, %get3A_349] {strides = array<i32>} : memref<8x2048xf32, #tpu.memory_space<vmem>>, vector<1x16xf32>,
        %get3A_351 = vector.shape_cast %get3A_350 : vector<1x16xf32> to vector<16xf32>
        %get3A_352 = arith.constant 0 : i32
        %get3A_353 = arith.index_cast %get3A_352 : i32 to index
        %get3A_354 = arith.index_cast %mul3A_343 : i32 to index
        %get3A_355 = tpu.vector_load %arg9[%get3A_353, %get3A_354] {strides = array<i32>} : memref<8x2048xf32, #tpu.memory_space<vmem>>, vector<1x16xf32>,
        %get3A_356 = vector.shape_cast %get3A_355 : vector<1x16xf32> to vector<16xf32>
        %gt3A = arith.cmpf ogt, %get3A_351, %scan3A_326 : vector<16xf32>
        %select_n3A = arith.select %gt3A, %get3A_351, %scan3A_326 : vector<16xi1>, vector<16xf32>
        %select_n3A_357 = arith.select %gt3A, %add3A_346, %scan3A_334 : vector<16xi1>, vector<16xi32>
        %get3A_358 = arith.constant 1 : i32
        %get3A_359 = arith.index_cast %get3A_358 : i32 to index
        %get3A_360 = arith.index_cast %mul3A_343 : i32 to index
        %get3A_361 = tpu.vector_load %arg8[%get3A_359, %get3A_360] {strides = array<i32>} : memref<8x2048xf32, #tpu.memory_space<vmem>>, vector<1x16xf32>,
        %get3A_362 = vector.shape_cast %get3A_361 : vector<1x16xf32> to vector<16xf32>
        %lt3A = arith.cmpf olt, %get3A_362, %get3A_351 : vector<16xf32>
        %select_n3A_363 = arith.select %lt3A, %get3A_362, %get3A_351 : vector<16xi1>, vector<16xf32>
        %get3A_364 = arith.constant 1 : i32
        %get3A_365 = arith.index_cast %get3A_364 : i32 to index
        %get3A_366 = arith.index_cast %mul3A_343 : i32 to index
        %get3A_367 = tpu.vector_load %arg9[%get3A_365, %get3A_366] {strides = array<i32>} : memref<8x2048xf32, #tpu.memory_space<vmem>>, vector<1x16xf32>,
        %get3A_368 = vector.shape_cast %get3A_367 : vector<1x16xf32> to vector<16xf32>
        %select_n3A_369 = arith.select %lt3A, %get3A_368, %get3A_356 : vector<16xi1>, vector<16xf32>
        %gt3A_370 = arith.cmpf ogt, %get3A_362, %scan3A_327 : vector<16xf32>
        %select_n3A_371 = arith.select %gt3A_370, %get3A_362, %scan3A_327 : vector<16xi1>, vector<16xf32>
        %select_n3A_372 = arith.select %gt3A_370, %add3A_346, %scan3A_335 : vector<16xi1>, vector<16xi32>
        %get3A_373 = arith.constant 2 : i32
        %get3A_374 = arith.index_cast %get3A_373 : i32 to index
        %get3A_375 = arith.index_cast %mul3A_343 : i32 to index
        %get3A_376 = tpu.vector_load %arg8[%get3A_374, %get3A_375] {strides = array<i32>} : memref<8x2048xf32, #tpu.memory_space<vmem>>, vector<1x16xf32>,
        %get3A_377 = vector.shape_cast %get3A_376 : vector<1x16xf32> to vector<16xf32>
        %lt3A_378 = arith.cmpf olt, %get3A_377, %select_n3A_363 : vector<16xf32>
        %select_n3A_379 = arith.select %lt3A_378, %get3A_377, %select_n3A_363 : vector<16xi1>, vector<16xf32>
        %get3A_380 = arith.constant 2 : i32
        %get3A_381 = arith.index_cast %get3A_380 : i32 to index
        %get3A_382 = arith.index_cast %mul3A_343 : i32 to index
        %get3A_383 = tpu.vector_load %arg9[%get3A_381, %get3A_382] {strides = array<i32>} : memref<8x2048xf32, #tpu.memory_space<vmem>>, vector<1x16xf32>,
        %get3A_384 = vector.shape_cast %get3A_383 : vector<1x16xf32> to vector<16xf32>
        %select_n3A_385 = arith.select %lt3A_378, %get3A_384, %select_n3A_369 : vector<16xi1>, vector<16xf32>
        %gt3A_386 = arith.cmpf ogt, %get3A_377, %scan3A_328 : vector<16xf32>
        %select_n3A_387 = arith.select %gt3A_386, %get3A_377, %scan3A_328 : vector<16xi1>, vector<16xf32>
        %select_n3A_388 = arith.select %gt3A_386, %add3A_346, %scan3A_336 : vector<16xi1>, vector<16xi32>
        %get3A_389 = arith.constant 3 : i32
        %get3A_390 = arith.index_cast %get3A_389 : i32 to index
        %get3A_391 = arith.index_cast %mul3A_343 : i32 to index
        %get3A_392 = tpu.vector_load %arg8[%get3A_390, %get3A_391] {strides = array<i32>} : memref<8x2048xf32, #tpu.memory_space<vmem>>, vector<1x16xf32>,
        %get3A_393 = vector.shape_cast %get3A_392 : vector<1x16xf32> to vector<16xf32>
        %lt3A_394 = arith.cmpf olt, %get3A_393, %select_n3A_379 : vector<16xf32>
        %select_n3A_395 = arith.select %lt3A_394, %get3A_393, %select_n3A_379 : vector<16xi1>, vector<16xf32>
        %get3A_396 = arith.constant 3 : i32
        %get3A_397 = arith.index_cast %get3A_396 : i32 to index
        %get3A_398 = arith.index_cast %mul3A_343 : i32 to index
        %get3A_399 = tpu.vector_load %arg9[%get3A_397, %get3A_398] {strides = array<i32>} : memref<8x2048xf32, #tpu.memory_space<vmem>>, vector<1x16xf32>,
        %get3A_400 = vector.shape_cast %get3A_399 : vector<1x16xf32> to vector<16xf32>
        %select_n3A_401 = arith.select %lt3A_394, %get3A_400, %select_n3A_385 : vector<16xi1>, vector<16xf32>
        %gt3A_402 = arith.cmpf ogt, %get3A_393, %scan3A_329 : vector<16xf32>
        %select_n3A_403 = arith.select %gt3A_402, %get3A_393, %scan3A_329 : vector<16xi1>, vector<16xf32>
        %select_n3A_404 = arith.select %gt3A_402, %add3A_346, %scan3A_337 : vector<16xi1>, vector<16xi32>
        %get3A_405 = arith.constant 4 : i32
        %get3A_406 = arith.index_cast %get3A_405 : i32 to index
        %get3A_407 = arith.index_cast %mul3A_343 : i32 to index
        %get3A_408 = tpu.vector_load %arg8[%get3A_406, %get3A_407] {strides = array<i32>} : memref<8x2048xf32, #tpu.memory_space<vmem>>, vector<1x16xf32>,
        %get3A_409 = vector.shape_cast %get3A_408 : vector<1x16xf32> to vector<16xf32>
        %lt3A_410 = arith.cmpf olt, %get3A_409, %select_n3A_395 : vector<16xf32>
        %select_n3A_411 = arith.select %lt3A_410, %get3A_409, %select_n3A_395 : vector<16xi1>, vector<16xf32>
        %get3A_412 = arith.constant 4 : i32
        %get3A_413 = arith.index_cast %get3A_412 : i32 to index
        %get3A_414 = arith.index_cast %mul3A_343 : i32 to index
        %get3A_415 = tpu.vector_load %arg9[%get3A_413, %get3A_414] {strides = array<i32>} : memref<8x2048xf32, #tpu.memory_space<vmem>>, vector<1x16xf32>,
        %get3A_416 = vector.shape_cast %get3A_415 : vector<1x16xf32> to vector<16xf32>
        %select_n3A_417 = arith.select %lt3A_410, %get3A_416, %select_n3A_401 : vector<16xi1>, vector<16xf32>
        %gt3A_418 = arith.cmpf ogt, %get3A_409, %scan3A_330 : vector<16xf32>
        %select_n3A_419 = arith.select %gt3A_418, %get3A_409, %scan3A_330 : vector<16xi1>, vector<16xf32>
        %select_n3A_420 = arith.select %gt3A_418, %add3A_346, %scan3A_338 : vector<16xi1>, vector<16xi32>
        %get3A_421 = arith.constant 5 : i32
        %get3A_422 = arith.index_cast %get3A_421 : i32 to index
        %get3A_423 = arith.index_cast %mul3A_343 : i32 to index
        %get3A_424 = tpu.vector_load %arg8[%get3A_422, %get3A_423] {strides = array<i32>} : memref<8x2048xf32, #tpu.memory_space<vmem>>, vector<1x16xf32>,
        %get3A_425 = vector.shape_cast %get3A_424 : vector<1x16xf32> to vector<16xf32>
        %lt3A_426 = arith.cmpf olt, %get3A_425, %select_n3A_411 : vector<16xf32>
        %select_n3A_427 = arith.select %lt3A_426, %get3A_425, %select_n3A_411 : vector<16xi1>, vector<16xf32>
        %get3A_428 = arith.constant 5 : i32
        %get3A_429 = arith.index_cast %get3A_428 : i32 to index
        %get3A_430 = arith.index_cast %mul3A_343 : i32 to index
        %get3A_431 = tpu.vector_load %arg9[%get3A_429, %get3A_430] {strides = array<i32>} : memref<8x2048xf32, #tpu.memory_space<vmem>>, vector<1x16xf32>,
        %get3A_432 = vector.shape_cast %get3A_431 : vector<1x16xf32> to vector<16xf32>
        %select_n3A_433 = arith.select %lt3A_426, %get3A_432, %select_n3A_417 : vector<16xi1>, vector<16xf32>
        %gt3A_434 = arith.cmpf ogt, %get3A_425, %scan3A_331 : vector<16xf32>
        %select_n3A_435 = arith.select %gt3A_434, %get3A_425, %scan3A_331 : vector<16xi1>, vector<16xf32>
        %select_n3A_436 = arith.select %gt3A_434, %add3A_346, %scan3A_339 : vector<16xi1>, vector<16xi32>
        %get3A_437 = arith.constant 6 : i32
        %get3A_438 = arith.index_cast %get3A_437 : i32 to index
        %get3A_439 = arith.index_cast %mul3A_343 : i32 to index
        %get3A_440 = tpu.vector_load %arg8[%get3A_438, %get3A_439] {strides = array<i32>} : memref<8x2048xf32, #tpu.memory_space<vmem>>, vector<1x16xf32>,
        %get3A_441 = vector.shape_cast %get3A_440 : vector<1x16xf32> to vector<16xf32>
        %lt3A_442 = arith.cmpf olt, %get3A_441, %select_n3A_427 : vector<16xf32>
        %select_n3A_443 = arith.select %lt3A_442, %get3A_441, %select_n3A_427 : vector<16xi1>, vector<16xf32>
        %get3A_444 = arith.constant 6 : i32
        %get3A_445 = arith.index_cast %get3A_444 : i32 to index
        %get3A_446 = arith.index_cast %mul3A_343 : i32 to index
        %get3A_447 = tpu.vector_load %arg9[%get3A_445, %get3A_446] {strides = array<i32>} : memref<8x2048xf32, #tpu.memory_space<vmem>>, vector<1x16xf32>,
        %get3A_448 = vector.shape_cast %get3A_447 : vector<1x16xf32> to vector<16xf32>
        %select_n3A_449 = arith.select %lt3A_442, %get3A_448, %select_n3A_433 : vector<16xi1>, vector<16xf32>
        %gt3A_450 = arith.cmpf ogt, %get3A_441, %scan3A_332 : vector<16xf32>
        %select_n3A_451 = arith.select %gt3A_450, %get3A_441, %scan3A_332 : vector<16xi1>, vector<16xf32>
        %select_n3A_452 = arith.select %gt3A_450, %add3A_346, %scan3A_340 : vector<16xi1>, vector<16xi32>
        %get3A_453 = arith.constant 7 : i32
        %get3A_454 = arith.index_cast %get3A_453 : i32 to index
        %get3A_455 = arith.index_cast %mul3A_343 : i32 to index
        %get3A_456 = tpu.vector_load %arg8[%get3A_454, %get3A_455] {strides = array<i32>} : memref<8x2048xf32, #tpu.memory_space<vmem>>, vector<1x16xf32>,
        %get3A_457 = vector.shape_cast %get3A_456 : vector<1x16xf32> to vector<16xf32>
        %lt3A_458 = arith.cmpf olt, %get3A_457, %select_n3A_443 : vector<16xf32>
        %select_n3A_459 = arith.select %lt3A_458, %get3A_457, %select_n3A_443 : vector<16xi1>, vector<16xf32>
        %get3A_460 = arith.constant 7 : i32
        %get3A_461 = arith.index_cast %get3A_460 : i32 to index
        %get3A_462 = arith.index_cast %mul3A_343 : i32 to index
        %get3A_463 = tpu.vector_load %arg9[%get3A_461, %get3A_462] {strides = array<i32>} : memref<8x2048xf32, #tpu.memory_space<vmem>>, vector<1x16xf32>,
        %get3A_464 = vector.shape_cast %get3A_463 : vector<1x16xf32> to vector<16xf32>
        %select_n3A_465 = arith.select %lt3A_458, %get3A_464, %select_n3A_449 : vector<16xi1>, vector<16xf32>
        %gt3A_466 = arith.cmpf ogt, %get3A_457, %scan3A_333 : vector<16xf32>
        %select_n3A_467 = arith.select %gt3A_466, %get3A_457, %scan3A_333 : vector<16xi1>, vector<16xf32>
        %select_n3A_468 = arith.select %gt3A_466, %add3A_346, %scan3A_341 : vector<16xi1>, vector<16xi32>
        %swap3A_469 = arith.index_cast %mul3A_343 : i32 to index
        %swap3A_470 = tpu.vector_load %arg10[%swap3A_469] {strides = array<i32>} : memref<2048xf32, #tpu.memory_space<vmem>>, vector<16xf32>,
        %swap3A_471 = vector.shape_cast %swap3A_470 : vector<16xf32> to vector<16xf32>
        %swap3A_472 = vector.shape_cast %select_n3A_459 : vector<16xf32> to vector<16xf32>
        tpu.vector_store %arg10[%swap3A_469], %swap3A_472 {strides = array<i32>} : memref<2048xf32, #tpu.memory_space<vmem>>, vector<16xf32>,
        %swap3A_473 = arith.index_cast %mul3A_343 : i32 to index
        %swap3A_474 = tpu.vector_load %arg11[%swap3A_473] {strides = array<i32>} : memref<2048xf32, #tpu.memory_space<vmem>>, vector<16xf32>,
        %swap3A_475 = vector.shape_cast %swap3A_474 : vector<16xf32> to vector<16xf32>
        %swap3A_476 = vector.shape_cast %select_n3A_465 : vector<16xf32> to vector<16xf32>
        tpu.vector_store %arg11[%swap3A_473], %swap3A_476 {strides = array<i32>} : memref<2048xf32, #tpu.memory_space<vmem>>, vector<16xf32>,
        scf.yield %select_n3A, %select_n3A_371, %select_n3A_387, %select_n3A_403, %select_n3A_419, %select_n3A_435, %select_n3A_451, %select_n3A_467, %select_n3A_357, %select_n3A_372, %select_n3A_388, %select_n3A_404, %select_n3A_420, %select_n3A_436, %select_n3A_452, %select_n3A_468 : vector<16xf32>, vector<16xf32>, vector<16xf32>, vector<16xf32>, vector<16xf32>, vector<16xf32>, vector<16xf32>, vector<16xf32>, vector<16xi32>, vector<16xi32>, vector<16xi32>, vector<16xi32>, vector<16xi32>, vector<16xi32>, vector<16xi32>, vector<16xi32>
      }
      %scan3A_224 = arith.constant 128 : i32
      %swap3A_225 = arith.constant 0 : i32
      %swap3A_226 = arith.index_cast %swap3A_225 : i32 to index
      %swap3A_227 = arith.constant 0 : index
      %swap3A_228 = tpu.vector_load %arg12[%swap3A_226, %swap3A_227] {strides = array<i32>} : memref<8x16xf32, #tpu.memory_space<vmem>>, vector<1x16xf32>,
      %swap3A_229 = vector.shape_cast %swap3A_228 : vector<1x16xf32> to vector<16xf32>
      %swap3A_230 = vector.shape_cast %scan3A_223#0 : vector<16xf32> to vector<1x16xf32>
      tpu.vector_store %arg12[%swap3A_226, %swap3A_227], %swap3A_230 {strides = array<i32>} : memref<8x16xf32, #tpu.memory_space<vmem>>, vector<1x16xf32>,
      %swap3A_231 = arith.constant 0 : i32
      %swap3A_232 = arith.index_cast %swap3A_231 : i32 to index
      %swap3A_233 = arith.constant 0 : index
      %swap3A_234 = tpu.vector_load %arg13[%swap3A_232, %swap3A_233] {strides = array<i32>} : memref<8x16xi32, #tpu.memory_space<vmem>>, vector<1x16xi32>,
      %swap3A_235 = vector.shape_cast %swap3A_234 : vector<1x16xi32> to vector<16xi32>
      %swap3A_236 = vector.shape_cast %scan3A_223#8 : vector<16xi32> to vector<1x16xi32>
      tpu.vector_store %arg13[%swap3A_232, %swap3A_233], %swap3A_236 {strides = array<i32>} : memref<8x16xi32, #tpu.memory_space<vmem>>, vector<1x16xi32>,
      %swap3A_237 = arith.constant 1 : i32
      %swap3A_238 = arith.index_cast %swap3A_237 : i32 to index
      %swap3A_239 = arith.constant 0 : index
      %swap3A_240 = tpu.vector_load %arg12[%swap3A_238, %swap3A_239] {strides = array<i32>} : memref<8x16xf32, #tpu.memory_space<vmem>>, vector<1x16xf32>,
      %swap3A_241 = vector.shape_cast %swap3A_240 : vector<1x16xf32> to vector<16xf32>
      %swap3A_242 = vector.shape_cast %scan3A_223#1 : vector<16xf32> to vector<1x16xf32>
      tpu.vector_store %arg12[%swap3A_238, %swap3A_239], %swap3A_242 {strides = array<i32>} : memref<8x16xf32, #tpu.memory_space<vmem>>, vector<1x16xf32>,
      %swap3A_243 = arith.constant 1 : i32
      %swap3A_244 = arith.index_cast %swap3A_243 : i32 to index
      %swap3A_245 = arith.constant 0 : index
      %swap3A_246 = tpu.vector_load %arg13[%swap3A_244, %swap3A_245] {strides = array<i32>} : memref<8x16xi32, #tpu.memory_space<vmem>>, vector<1x16xi32>,
      %swap3A_247 = vector.shape_cast %swap3A_246 : vector<1x16xi32> to vector<16xi32>
      %swap3A_248 = vector.shape_cast %scan3A_223#9 : vector<16xi32> to vector<1x16xi32>
      tpu.vector_store %arg13[%swap3A_244, %swap3A_245], %swap3A_248 {strides = array<i32>} : memref<8x16xi32, #tpu.memory_space<vmem>>, vector<1x16xi32>,
      %swap3A_249 = arith.constant 2 : i32
      %swap3A_250 = arith.index_cast %swap3A_249 : i32 to index
      %swap3A_251 = arith.constant 0 : index
      %swap3A_252 = tpu.vector_load %arg12[%swap3A_250, %swap3A_251] {strides = array<i32>} : memref<8x16xf32, #tpu.memory_space<vmem>>, vector<1x16xf32>,
      %swap3A_253 = vector.shape_cast %swap3A_252 : vector<1x16xf32> to vector<16xf32>
      %swap3A_254 = vector.shape_cast %scan3A_223#2 : vector<16xf32> to vector<1x16xf32>
      tpu.vector_store %arg12[%swap3A_250, %swap3A_251], %swap3A_254 {strides = array<i32>} : memref<8x16xf32, #tpu.memory_space<vmem>>, vector<1x16xf32>,
      %swap3A_255 = arith.constant 2 : i32
      %swap3A_256 = arith.index_cast %swap3A_255 : i32 to index
      %swap3A_257 = arith.constant 0 : index
      %swap3A_258 = tpu.vector_load %arg13[%swap3A_256, %swap3A_257] {strides = array<i32>} : memref<8x16xi32, #tpu.memory_space<vmem>>, vector<1x16xi32>,
      %swap3A_259 = vector.shape_cast %swap3A_258 : vector<1x16xi32> to vector<16xi32>
      %swap3A_260 = vector.shape_cast %scan3A_223#10 : vector<16xi32> to vector<1x16xi32>
      tpu.vector_store %arg13[%swap3A_256, %swap3A_257], %swap3A_260 {strides = array<i32>} : memref<8x16xi32, #tpu.memory_space<vmem>>, vector<1x16xi32>,
      %swap3A_261 = arith.constant 3 : i32
      %swap3A_262 = arith.index_cast %swap3A_261 : i32 to index
      %swap3A_263 = arith.constant 0 : index
      %swap3A_264 = tpu.vector_load %arg12[%swap3A_262, %swap3A_263] {strides = array<i32>} : memref<8x16xf32, #tpu.memory_space<vmem>>, vector<1x16xf32>,
      %swap3A_265 = vector.shape_cast %swap3A_264 : vector<1x16xf32> to vector<16xf32>
      %swap3A_266 = vector.shape_cast %scan3A_223#3 : vector<16xf32> to vector<1x16xf32>
      tpu.vector_store %arg12[%swap3A_262, %swap3A_263], %swap3A_266 {strides = array<i32>} : memref<8x16xf32, #tpu.memory_space<vmem>>, vector<1x16xf32>,
      %swap3A_267 = arith.constant 3 : i32
      %swap3A_268 = arith.index_cast %swap3A_267 : i32 to index
      %swap3A_269 = arith.constant 0 : index
      %swap3A_270 = tpu.vector_load %arg13[%swap3A_268, %swap3A_269] {strides = array<i32>} : memref<8x16xi32, #tpu.memory_space<vmem>>, vector<1x16xi32>,
      %swap3A_271 = vector.shape_cast %swap3A_270 : vector<1x16xi32> to vector<16xi32>
      %swap3A_272 = vector.shape_cast %scan3A_223#11 : vector<16xi32> to vector<1x16xi32>
      tpu.vector_store %arg13[%swap3A_268, %swap3A_269], %swap3A_272 {strides = array<i32>} : memref<8x16xi32, #tpu.memory_space<vmem>>, vector<1x16xi32>,
      %swap3A_273 = arith.constant 4 : i32
      %swap3A_274 = arith.index_cast %swap3A_273 : i32 to index
      %swap3A_275 = arith.constant 0 : index
      %swap3A_276 = tpu.vector_load %arg12[%swap3A_274, %swap3A_275] {strides = array<i32>} : memref<8x16xf32, #tpu.memory_space<vmem>>, vector<1x16xf32>,
      %swap3A_277 = vector.shape_cast %swap3A_276 : vector<1x16xf32> to vector<16xf32>
      %swap3A_278 = vector.shape_cast %scan3A_223#4 : vector<16xf32> to vector<1x16xf32>
      tpu.vector_store %arg12[%swap3A_274, %swap3A_275], %swap3A_278 {strides = array<i32>} : memref<8x16xf32, #tpu.memory_space<vmem>>, vector<1x16xf32>,
      %swap3A_279 = arith.constant 4 : i32
      %swap3A_280 = arith.index_cast %swap3A_279 : i32 to index
      %swap3A_281 = arith.constant 0 : index
      %swap3A_282 = tpu.vector_load %arg13[%swap3A_280, %swap3A_281] {strides = array<i32>} : memref<8x16xi32, #tpu.memory_space<vmem>>, vector<1x16xi32>,
      %swap3A_283 = vector.shape_cast %swap3A_282 : vector<1x16xi32> to vector<16xi32>
      %swap3A_284 = vector.shape_cast %scan3A_223#12 : vector<16xi32> to vector<1x16xi32>
      tpu.vector_store %arg13[%swap3A_280, %swap3A_281], %swap3A_284 {strides = array<i32>} : memref<8x16xi32, #tpu.memory_space<vmem>>, vector<1x16xi32>,
      %swap3A_285 = arith.constant 5 : i32
      %swap3A_286 = arith.index_cast %swap3A_285 : i32 to index
      %swap3A_287 = arith.constant 0 : index
      %swap3A_288 = tpu.vector_load %arg12[%swap3A_286, %swap3A_287] {strides = array<i32>} : memref<8x16xf32, #tpu.memory_space<vmem>>, vector<1x16xf32>,
      %swap3A_289 = vector.shape_cast %swap3A_288 : vector<1x16xf32> to vector<16xf32>
      %swap3A_290 = vector.shape_cast %scan3A_223#5 : vector<16xf32> to vector<1x16xf32>
      tpu.vector_store %arg12[%swap3A_286, %swap3A_287], %swap3A_290 {strides = array<i32>} : memref<8x16xf32, #tpu.memory_space<vmem>>, vector<1x16xf32>,
      %swap3A_291 = arith.constant 5 : i32
      %swap3A_292 = arith.index_cast %swap3A_291 : i32 to index
      %swap3A_293 = arith.constant 0 : index
      %swap3A_294 = tpu.vector_load %arg13[%swap3A_292, %swap3A_293] {strides = array<i32>} : memref<8x16xi32, #tpu.memory_space<vmem>>, vector<1x16xi32>,
      %swap3A_295 = vector.shape_cast %swap3A_294 : vector<1x16xi32> to vector<16xi32>
      %swap3A_296 = vector.shape_cast %scan3A_223#13 : vector<16xi32> to vector<1x16xi32>
      tpu.vector_store %arg13[%swap3A_292, %swap3A_293], %swap3A_296 {strides = array<i32>} : memref<8x16xi32, #tpu.memory_space<vmem>>, vector<1x16xi32>,
      %swap3A_297 = arith.constant 6 : i32
      %swap3A_298 = arith.index_cast %swap3A_297 : i32 to index
      %swap3A_299 = arith.constant 0 : index
      %swap3A_300 = tpu.vector_load %arg12[%swap3A_298, %swap3A_299] {strides = array<i32>} : memref<8x16xf32, #tpu.memory_space<vmem>>, vector<1x16xf32>,
      %swap3A_301 = vector.shape_cast %swap3A_300 : vector<1x16xf32> to vector<16xf32>
      %swap3A_302 = vector.shape_cast %scan3A_223#6 : vector<16xf32> to vector<1x16xf32>
      tpu.vector_store %arg12[%swap3A_298, %swap3A_299], %swap3A_302 {strides = array<i32>} : memref<8x16xf32, #tpu.memory_space<vmem>>, vector<1x16xf32>,
      %swap3A_303 = arith.constant 6 : i32
      %swap3A_304 = arith.index_cast %swap3A_303 : i32 to index
      %swap3A_305 = arith.constant 0 : index
      %swap3A_306 = tpu.vector_load %arg13[%swap3A_304, %swap3A_305] {strides = array<i32>} : memref<8x16xi32, #tpu.memory_space<vmem>>, vector<1x16xi32>,
      %swap3A_307 = vector.shape_cast %swap3A_306 : vector<1x16xi32> to vector<16xi32>
      %swap3A_308 = vector.shape_cast %scan3A_223#14 : vector<16xi32> to vector<1x16xi32>
      tpu.vector_store %arg13[%swap3A_304, %swap3A_305], %swap3A_308 {strides = array<i32>} : memref<8x16xi32, #tpu.memory_space<vmem>>, vector<1x16xi32>,
      %swap3A_309 = arith.constant 7 : i32
      %swap3A_310 = arith.index_cast %swap3A_309 : i32 to index
      %swap3A_311 = arith.constant 0 : index
      %swap3A_312 = tpu.vector_load %arg12[%swap3A_310, %swap3A_311] {strides = array<i32>} : memref<8x16xf32, #tpu.memory_space<vmem>>, vector<1x16xf32>,
      %swap3A_313 = vector.shape_cast %swap3A_312 : vector<1x16xf32> to vector<16xf32>
      %swap3A_314 = vector.shape_cast %scan3A_223#7 : vector<16xf32> to vector<1x16xf32>
      tpu.vector_store %arg12[%swap3A_310, %swap3A_311], %swap3A_314 {strides = array<i32>} : memref<8x16xf32, #tpu.memory_space<vmem>>, vector<1x16xf32>,
      %swap3A_315 = arith.constant 7 : i32
      %swap3A_316 = arith.index_cast %swap3A_315 : i32 to index
      %swap3A_317 = arith.constant 0 : index
      %swap3A_318 = tpu.vector_load %arg13[%swap3A_316, %swap3A_317] {strides = array<i32>} : memref<8x16xi32, #tpu.memory_space<vmem>>, vector<1x16xi32>,
      %swap3A_319 = vector.shape_cast %swap3A_318 : vector<1x16xi32> to vector<16xi32>
      %swap3A_320 = vector.shape_cast %scan3A_223#15 : vector<16xi32> to vector<1x16xi32>
      tpu.vector_store %arg13[%swap3A_316, %swap3A_317], %swap3A_320 {strides = array<i32>} : memref<8x16xi32, #tpu.memory_space<vmem>>, vector<1x16xi32>,
      %mul3A_321 = arith.constant 2048 : i32
      %mul3A_322 = arith.muli %add3A_135, %mul3A_321 : i32
      "tpu.region"() ({
        %run_scoped3A = tpu.sem_alloc : memref<!tpu.dma_semaphore, #tpu.memory_space<semaphore_mem>>
        %dma_start3A = tpu.memref_slice %arg4[%add3A, %mul3A_322] : memref<32x16384xf32, #tpu.memory_space<hbm>> -> memref<1x2048xf32, #tpu.memory_space<hbm>>
        %dma_start3A_325 = tpu.memref_squeeze %dma_start3A : memref<1x2048xf32, #tpu.memory_space<hbm>> -> memref<2048xf32, #tpu.memory_space<hbm>>
        %dma_start3A_326 = tpu.memref_slice %arg4[%add3A, %mul3A_322] : memref<32x16384xf32, #tpu.memory_space<hbm>> -> memref<1x2048xf32, #tpu.memory_space<hbm>>
        %dma_start3A_327 = tpu.memref_squeeze %dma_start3A_326 : memref<1x2048xf32, #tpu.memory_space<hbm>> -> memref<2048xf32, #tpu.memory_space<hbm>>
        tpu.enqueue_dma source(%arg10 : memref<2048xf32, #tpu.memory_space<vmem>>) target(%dma_start3A_327 : memref<2048xf32, #tpu.memory_space<hbm>>) target_semaphore(%run_scoped3A : memref<!tpu.dma_semaphore, #tpu.memory_space<semaphore_mem>>)
        %dma_wait3A = tpu.memref_slice %arg4[%add3A, %mul3A_322] : memref<32x16384xf32, #tpu.memory_space<hbm>> -> memref<1x2048xf32, #tpu.memory_space<hbm>>
        %dma_wait3A_328 = tpu.memref_squeeze %dma_wait3A : memref<1x2048xf32, #tpu.memory_space<hbm>> -> memref<2048xf32, #tpu.memory_space<hbm>>
        %dma_wait3A_329 = tpu.memref_slice %arg4[%add3A, %mul3A_322] : memref<32x16384xf32, #tpu.memory_space<hbm>> -> memref<1x2048xf32, #tpu.memory_space<hbm>>
        %dma_wait3A_330 = tpu.memref_squeeze %dma_wait3A_329 : memref<1x2048xf32, #tpu.memory_space<hbm>> -> memref<2048xf32, #tpu.memory_space<hbm>>
        tpu.wait_dma2 semaphore(%run_scoped3A : memref<!tpu.dma_semaphore, #tpu.memory_space<semaphore_mem>>) src(%arg10 : memref<2048xf32, #tpu.memory_space<vmem>>) dst(%dma_wait3A_330 : memref<2048xf32, #tpu.memory_space<hbm>>)
        tpu.yield
      }) : () -> ()
      %mul3A_323 = arith.constant 2048 : i32
      %mul3A_324 = arith.muli %add3A_135, %mul3A_323 : i32
      "tpu.region"() ({
        %run_scoped3A = tpu.sem_alloc : memref<!tpu.dma_semaphore, #tpu.memory_space<semaphore_mem>>
        %dma_start3A = tpu.memref_slice %arg5[%add3A, %mul3A_324] : memref<32x16384xf32, #tpu.memory_space<hbm>> -> memref<1x2048xf32, #tpu.memory_space<hbm>>
        %dma_start3A_325 = tpu.memref_squeeze %dma_start3A : memref<1x2048xf32, #tpu.memory_space<hbm>> -> memref<2048xf32, #tpu.memory_space<hbm>>
        %dma_start3A_326 = tpu.memref_slice %arg5[%add3A, %mul3A_324] : memref<32x16384xf32, #tpu.memory_space<hbm>> -> memref<1x2048xf32, #tpu.memory_space<hbm>>
        %dma_start3A_327 = tpu.memref_squeeze %dma_start3A_326 : memref<1x2048xf32, #tpu.memory_space<hbm>> -> memref<2048xf32, #tpu.memory_space<hbm>>
        tpu.enqueue_dma source(%arg11 : memref<2048xf32, #tpu.memory_space<vmem>>) target(%dma_start3A_327 : memref<2048xf32, #tpu.memory_space<hbm>>) target_semaphore(%run_scoped3A : memref<!tpu.dma_semaphore, #tpu.memory_space<semaphore_mem>>)
        %dma_wait3A = tpu.memref_slice %arg5[%add3A, %mul3A_324] : memref<32x16384xf32, #tpu.memory_space<hbm>> -> memref<1x2048xf32, #tpu.memory_space<hbm>>
        %dma_wait3A_328 = tpu.memref_squeeze %dma_wait3A : memref<1x2048xf32, #tpu.memory_space<hbm>> -> memref<2048xf32, #tpu.memory_space<hbm>>
        %dma_wait3A_329 = tpu.memref_slice %arg5[%add3A, %mul3A_324] : memref<32x16384xf32, #tpu.memory_space<hbm>> -> memref<1x2048xf32, #tpu.memory_space<hbm>>
        %dma_wait3A_330 = tpu.memref_squeeze %dma_wait3A_329 : memref<1x2048xf32, #tpu.memory_space<hbm>> -> memref<2048xf32, #tpu.memory_space<hbm>>
        tpu.wait_dma2 semaphore(%run_scoped3A : memref<!tpu.dma_semaphore, #tpu.memory_space<semaphore_mem>>) src(%arg11 : memref<2048xf32, #tpu.memory_space<vmem>>) dst(%dma_wait3A_330 : memref<2048xf32, #tpu.memory_space<hbm>>)
        tpu.yield
      }) : () -> ()
    }
    %scan3A_130 = arith.constant 8 : i32
    "tpu.region"() ({
      %run_scoped3A = tpu.sem_alloc : memref<!tpu.dma_semaphore, #tpu.memory_space<semaphore_mem>>
      %dma_start3A = arith.constant 0 : i32
      %dma_start3A_131 = arith.constant 0 : i32
      %dma_start3A_132 = tpu.memref_slice %arg6[%add3A, %dma_start3A, %dma_start3A_131] : memref<32x8x16xf32, #tpu.memory_space<hbm>> -> memref<1x8x16xf32, #tpu.memory_space<hbm>>
      %dma_start3A_133 = tpu.memref_squeeze %dma_start3A_132 : memref<1x8x16xf32, #tpu.memory_space<hbm>> -> memref<8x16xf32, #tpu.memory_space<hbm>>
      %dma_start3A_134 = arith.constant 0 : i32
      %dma_start3A_135 = arith.constant 0 : i32
      %dma_start3A_136 = tpu.memref_slice %arg6[%add3A, %dma_start3A_134, %dma_start3A_135] : memref<32x8x16xf32, #tpu.memory_space<hbm>> -> memref<1x8x16xf32, #tpu.memory_space<hbm>>
      %dma_start3A_137 = tpu.memref_squeeze %dma_start3A_136 : memref<1x8x16xf32, #tpu.memory_space<hbm>> -> memref<8x16xf32, #tpu.memory_space<hbm>>
      tpu.enqueue_dma source(%arg12 : memref<8x16xf32, #tpu.memory_space<vmem>>) target(%dma_start3A_137 : memref<8x16xf32, #tpu.memory_space<hbm>>) target_semaphore(%run_scoped3A : memref<!tpu.dma_semaphore, #tpu.memory_space<semaphore_mem>>)
      %dma_wait3A = arith.constant 0 : i32
      %dma_wait3A_138 = arith.constant 0 : i32
      %dma_wait3A_139 = tpu.memref_slice %arg6[%add3A, %dma_wait3A, %dma_wait3A_138] : memref<32x8x16xf32, #tpu.memory_space<hbm>> -> memref<1x8x16xf32, #tpu.memory_space<hbm>>
      %dma_wait3A_140 = tpu.memref_squeeze %dma_wait3A_139 : memref<1x8x16xf32, #tpu.memory_space<hbm>> -> memref<8x16xf32, #tpu.memory_space<hbm>>
      %dma_wait3A_141 = arith.constant 0 : i32
      %dma_wait3A_142 = arith.constant 0 : i32
      %dma_wait3A_143 = tpu.memref_slice %arg6[%add3A, %dma_wait3A_141, %dma_wait3A_142] : memref<32x8x16xf32, #tpu.memory_space<hbm>> -> memref<1x8x16xf32, #tpu.memory_space<hbm>>
      %dma_wait3A_144 = tpu.memref_squeeze %dma_wait3A_143 : memref<1x8x16xf32, #tpu.memory_space<hbm>> -> memref<8x16xf32, #tpu.memory_space<hbm>>
      tpu.wait_dma2 semaphore(%run_scoped3A : memref<!tpu.dma_semaphore, #tpu.memory_space<semaphore_mem>>) src(%arg12 : memref<8x16xf32, #tpu.memory_space<vmem>>) dst(%dma_wait3A_144 : memref<8x16xf32, #tpu.memory_space<hbm>>)
      tpu.yield
    }) : () -> ()
    "tpu.region"() ({
      %run_scoped3A = tpu.sem_alloc : memref<!tpu.dma_semaphore, #tpu.memory_space<semaphore_mem>>
      %dma_start3A = arith.constant 0 : i32
      %dma_start3A_131 = arith.constant 0 : i32
      %dma_start3A_132 = tpu.memref_slice %arg7[%add3A, %dma_start3A, %dma_start3A_131] : memref<32x8x16xi32, #tpu.memory_space<hbm>> -> memref<1x8x16xi32, #tpu.memory_space<hbm>>
      %dma_start3A_133 = tpu.memref_squeeze %dma_start3A_132 : memref<1x8x16xi32, #tpu.memory_space<hbm>> -> memref<8x16xi32, #tpu.memory_space<hbm>>
      %dma_start3A_134 = arith.constant 0 : i32
      %dma_start3A_135 = arith.constant 0 : i32
      %dma_start3A_136 = tpu.memref_slice %arg7[%add3A, %dma_start3A_134, %dma_start3A_135] : memref<32x8x16xi32, #tpu.memory_space<hbm>> -> memref<1x8x16xi32, #tpu.memory_space<hbm>>
      %dma_start3A_137 = tpu.memref_squeeze %dma_start3A_136 : memref<1x8x16xi32, #tpu.memory_space<hbm>> -> memref<8x16xi32, #tpu.memory_space<hbm>>
      tpu.enqueue_dma source(%arg13 : memref<8x16xi32, #tpu.memory_space<vmem>>) target(%dma_start3A_137 : memref<8x16xi32, #tpu.memory_space<hbm>>) target_semaphore(%run_scoped3A : memref<!tpu.dma_semaphore, #tpu.memory_space<semaphore_mem>>)
      %dma_wait3A = arith.constant 0 : i32
      %dma_wait3A_138 = arith.constant 0 : i32
      %dma_wait3A_139 = tpu.memref_slice %arg7[%add3A, %dma_wait3A, %dma_wait3A_138] : memref<32x8x16xi32, #tpu.memory_space<hbm>> -> memref<1x8x16xi32, #tpu.memory_space<hbm>>
      %dma_wait3A_140 = tpu.memref_squeeze %dma_wait3A_139 : memref<1x8x16xi32, #tpu.memory_space<hbm>> -> memref<8x16xi32, #tpu.memory_space<hbm>>
      %dma_wait3A_141 = arith.constant 0 : i32
      %dma_wait3A_142 = arith.constant 0 : i32
      %dma_wait3A_143 = tpu.memref_slice %arg7[%add3A, %dma_wait3A_141, %dma_wait3A_142] : memref<32x8x16xi32, #tpu.memory_space<hbm>> -> memref<1x8x16xi32, #tpu.memory_space<hbm>>
      %dma_wait3A_144 = tpu.memref_squeeze %dma_wait3A_143 : memref<1x8x16xi32, #tpu.memory_space<hbm>> -> memref<8x16xi32, #tpu.memory_space<hbm>>
      tpu.wait_dma2 semaphore(%run_scoped3A : memref<!tpu.dma_semaphore, #tpu.memory_space<semaphore_mem>>) src(%arg13 : memref<8x16xi32, #tpu.memory_space<vmem>>) dst(%dma_wait3A_144 : memref<8x16xi32, #tpu.memory_space<hbm>>)
      tpu.yield
    }) : () -> ()
    return
  }
}

module attributes {stable_mosaic.version = 14 : i64} {
  func.func @_tc_body(%arg0: i32, %arg1: memref<32x8x2048xf32, #tpu.memory_space<vmem>>, %arg2: memref<32x8x2048xf32, #tpu.memory_space<vmem>>, %arg3: memref<32x2048xf32, #tpu.memory_space<vmem>>, %arg4: memref<32x2048xf32, #tpu.memory_space<vmem>>, %arg5: memref<32x8xf32, #tpu.memory_space<vmem>>, %arg6: memref<32x8xi32, #tpu.memory_space<vmem>>, %arg7: memref<32x8x2048xf32, #tpu.memory_space<vmem>>, %arg8: memref<32x8x2048xi32, #tpu.memory_space<vmem>>) attributes {dimension_semantics = [#tpu.dimension_semantics<arbitrary>], iteration_bounds = array<i64: 8>, scalar_prefetch = 0 : i64, scratch_operands = 2 : i64, tpu.core_type = #tpu.core_type<tc>, window_params = [{transform_indices = @transform_0, window_bounds = array<i64: 32, 8, 2048>}, {transform_indices = @transform_1, window_bounds = array<i64: 32, 8, 2048>}, {transform_indices = @transform_2, window_bounds = array<i64: 32, 2048>}, {transform_indices = @transform_3, window_bounds = array<i64: 32, 2048>}, {pipeline_mode = #tpu.pipeline_mode<synchronous>, transform_indices = @transform_4, window_bounds = array<i64: 32, 8>}, {pipeline_mode = #tpu.pipeline_mode<synchronous>, transform_indices = @transform_5, window_bounds = array<i64: 32, 8>}]} {
    %get3A = arith.constant 0 : index
    %get3A_0 = arith.constant 0 : index
    %get3A_1 = arith.constant 0 : index
    %get3A_2 = vector.load %arg1[%get3A, %get3A_0, %get3A_1] : memref<32x8x2048xf32, #tpu.memory_space<vmem>>, vector<32x8x2048xf32>
    %get3A_3 = arith.constant 0 : index
    %get3A_4 = arith.constant 0 : index
    %get3A_5 = arith.constant 0 : index
    %get3A_6 = vector.load %arg2[%get3A_3, %get3A_4, %get3A_5] : memref<32x8x2048xf32, #tpu.memory_space<vmem>>, vector<32x8x2048xf32>
    %reduce_min3A = arith.constant dense<0x7F800000> : vector<32x2048xf32>
    %reduce_min3A_7 = vector.multi_reduction <minimumf>, %get3A_2, %reduce_min3A [1] : vector<32x8x2048xf32> to vector<32x2048xf32>
    %iota3A = tpu.iota {dimensions = array<i32: 1>} : vector<32x8x2048xi32>
    %broadcast_in_dim3A = vector.shape_cast %reduce_min3A_7 : vector<32x2048xf32> to vector<32x1x2048xf32>
    %eq3A = vector.broadcast %broadcast_in_dim3A : vector<32x1x2048xf32> to vector<32x8x2048xf32>
    %eq3A_8 = arith.cmpf oeq, %get3A_2, %eq3A : vector<32x8x2048xf32>
    %jit3A = arith.constant 8 : i32
    %broadcast_in_dim3A_9 = vector.broadcast %jit3A : i32 to vector<32x8x2048xi32>
    %select_n3A = arith.select %eq3A_8, %iota3A, %broadcast_in_dim3A_9 : vector<32x8x2048xi1>, vector<32x8x2048xi32>
    %reduce_min3A_10 = arith.constant dense<2147483647> : vector<32x2048xi32>
    %reduce_min3A_11 = vector.multi_reduction <minsi>, %select_n3A, %reduce_min3A_10 [1] : vector<32x8x2048xi32> to vector<32x2048xi32>
    %broadcast_in_dim3A_12 = vector.shape_cast %reduce_min3A_11 : vector<32x2048xi32> to vector<32x1x2048xi32>
    %eq3A_13 = vector.broadcast %broadcast_in_dim3A_12 : vector<32x1x2048xi32> to vector<32x8x2048xi32>
    %eq3A_14 = arith.cmpi eq, %iota3A, %eq3A_13 : vector<32x8x2048xi32>
    %jit3A_15 = arith.constant 0.000000e+00 : f32
    %broadcast_in_dim3A_16 = vector.broadcast %jit3A_15 : f32 to vector<32x8x2048xf32>
    %select_n3A_17 = arith.select %eq3A_14, %get3A_6, %broadcast_in_dim3A_16 : vector<32x8x2048xi1>, vector<32x8x2048xf32>
    %reduce_sum3A = arith.constant dense<0.000000e+00> : vector<32x2048xf32>
    %reduce_sum3A_18 = vector.multi_reduction <add>, %select_n3A_17, %reduce_sum3A [1] : vector<32x8x2048xf32> to vector<32x2048xf32>
    %swap3A = arith.constant 0 : index
    %swap3A_19 = arith.constant 0 : index
    %swap3A_20 = vector.load %arg3[%swap3A, %swap3A_19] : memref<32x2048xf32, #tpu.memory_space<vmem>>, vector<32x2048xf32>
    tpu.vector_store %arg3[%swap3A, %swap3A_19], %reduce_min3A_7 {strides = array<i32>} : memref<32x2048xf32, #tpu.memory_space<vmem>>, vector<32x2048xf32>,
    %swap3A_21 = arith.constant 0 : index
    %swap3A_22 = arith.constant 0 : index
    %swap3A_23 = vector.load %arg4[%swap3A_21, %swap3A_22] : memref<32x2048xf32, #tpu.memory_space<vmem>>, vector<32x2048xf32>
    tpu.vector_store %arg4[%swap3A_21, %swap3A_22], %reduce_sum3A_18 {strides = array<i32>} : memref<32x2048xf32, #tpu.memory_space<vmem>>, vector<32x2048xf32>,
    %eq3A_24 = arith.constant 0 : i32
    %eq3A_25 = arith.cmpi eq, %arg0, %eq3A_24 : i32
    %convert_element_type3A = arith.extui %eq3A_25 : i1 to i32
    %cond3A = arith.constant 0 : i32
    %cond3A_26 = arith.cmpi ne, %convert_element_type3A, %cond3A : i32
    scf.if %cond3A_26 {
      %swap3A_36 = arith.constant 0 : index
      %swap3A_37 = arith.constant 0 : index
      %swap3A_38 = arith.constant 0 : index
      %swap3A_39 = vector.load %arg7[%swap3A_36, %swap3A_37, %swap3A_38] : memref<32x8x2048xf32, #tpu.memory_space<vmem>>, vector<32x8x2048xf32>
      tpu.vector_store %arg7[%swap3A_36, %swap3A_37, %swap3A_38], %get3A_2 {strides = array<i32>} : memref<32x8x2048xf32, #tpu.memory_space<vmem>>, vector<32x8x2048xf32>,
      %broadcast_in_dim3A_40 = arith.constant 0 : i32
      %broadcast_in_dim3A_41 = vector.broadcast %broadcast_in_dim3A_40 : i32 to vector<32x8x2048xi32>
      %swap3A_42 = arith.constant 0 : index
      %swap3A_43 = arith.constant 0 : index
      %swap3A_44 = arith.constant 0 : index
      %swap3A_45 = vector.load %arg8[%swap3A_42, %swap3A_43, %swap3A_44] : memref<32x8x2048xi32, #tpu.memory_space<vmem>>, vector<32x8x2048xi32>
      tpu.vector_store %arg8[%swap3A_42, %swap3A_43, %swap3A_44], %broadcast_in_dim3A_41 {strides = array<i32>} : memref<32x8x2048xi32, #tpu.memory_space<vmem>>, vector<32x8x2048xi32>,
    } else {
    }
    %gt3A = arith.constant 0 : i32
    %gt3A_27 = arith.cmpi sgt, %arg0, %gt3A : i32
    %convert_element_type3A_28 = arith.extui %gt3A_27 : i1 to i32
    %cond3A_29 = arith.constant 0 : i32
    %cond3A_30 = arith.cmpi ne, %convert_element_type3A_28, %cond3A_29 : i32
    scf.if %cond3A_30 {
      %get3A_36 = arith.constant 0 : index
      %get3A_37 = arith.constant 0 : index
      %get3A_38 = arith.constant 0 : index
      %get3A_39 = vector.load %arg7[%get3A_36, %get3A_37, %get3A_38] : memref<32x8x2048xf32, #tpu.memory_space<vmem>>, vector<32x8x2048xf32>
      %gt3A_40 = arith.cmpf ogt, %get3A_2, %get3A_39 : vector<32x8x2048xf32>
      %get3A_41 = arith.constant 0 : index
      %get3A_42 = arith.constant 0 : index
      %get3A_43 = arith.constant 0 : index
      %get3A_44 = vector.load %arg7[%get3A_41, %get3A_42, %get3A_43] : memref<32x8x2048xf32, #tpu.memory_space<vmem>>, vector<32x8x2048xf32>
      %select_n3A_45 = arith.select %gt3A_40, %get3A_2, %get3A_44 : vector<32x8x2048xi1>, vector<32x8x2048xf32>
      %swap3A_46 = arith.constant 0 : index
      %swap3A_47 = arith.constant 0 : index
      %swap3A_48 = arith.constant 0 : index
      %swap3A_49 = vector.load %arg7[%swap3A_46, %swap3A_47, %swap3A_48] : memref<32x8x2048xf32, #tpu.memory_space<vmem>>, vector<32x8x2048xf32>
      tpu.vector_store %arg7[%swap3A_46, %swap3A_47, %swap3A_48], %select_n3A_45 {strides = array<i32>} : memref<32x8x2048xf32, #tpu.memory_space<vmem>>, vector<32x8x2048xf32>,
      %get3A_50 = arith.constant 0 : index
      %get3A_51 = arith.constant 0 : index
      %get3A_52 = arith.constant 0 : index
      %get3A_53 = vector.load %arg8[%get3A_50, %get3A_51, %get3A_52] : memref<32x8x2048xi32, #tpu.memory_space<vmem>>, vector<32x8x2048xi32>
      %broadcast_in_dim3A_54 = vector.broadcast %arg0 : i32 to vector<32x8x2048xi32>
      %select_n3A_55 = arith.select %gt3A_40, %broadcast_in_dim3A_54, %get3A_53 : vector<32x8x2048xi1>, vector<32x8x2048xi32>
      %swap3A_56 = arith.constant 0 : index
      %swap3A_57 = arith.constant 0 : index
      %swap3A_58 = arith.constant 0 : index
      %swap3A_59 = vector.load %arg8[%swap3A_56, %swap3A_57, %swap3A_58] : memref<32x8x2048xi32, #tpu.memory_space<vmem>>, vector<32x8x2048xi32>
      tpu.vector_store %arg8[%swap3A_56, %swap3A_57, %swap3A_58], %select_n3A_55 {strides = array<i32>} : memref<32x8x2048xi32, #tpu.memory_space<vmem>>, vector<32x8x2048xi32>,
    } else {
    }
    %eq3A_31 = arith.constant 7 : i32
    %eq3A_32 = arith.cmpi eq, %arg0, %eq3A_31 : i32
    %convert_element_type3A_33 = arith.extui %eq3A_32 : i1 to i32
    %cond3A_34 = arith.constant 0 : i32
    %cond3A_35 = arith.cmpi ne, %convert_element_type3A_33, %cond3A_34 : i32
    scf.if %cond3A_35 {
      %get3A_36 = arith.constant 0 : index
      %get3A_37 = arith.constant 0 : index
      %get3A_38 = arith.constant 0 : index
      %get3A_39 = vector.load %arg7[%get3A_36, %get3A_37, %get3A_38] : memref<32x8x2048xf32, #tpu.memory_space<vmem>>, vector<32x8x2048xf32>
      %reduce_max3A = arith.constant dense<0xFF800000> : vector<32x8xf32>
      %reduce_max3A_40 = vector.multi_reduction <maximumf>, %get3A_39, %reduce_max3A [2] : vector<32x8x2048xf32> to vector<32x8xf32>
      %iota3A_41 = tpu.iota {dimensions = array<i32: 2>} : vector<32x8x2048xi32>
      %get3A_42 = arith.constant 0 : index
      %get3A_43 = arith.constant 0 : index
      %get3A_44 = arith.constant 0 : index
      %get3A_45 = vector.load %arg8[%get3A_42, %get3A_43, %get3A_44] : memref<32x8x2048xi32, #tpu.memory_space<vmem>>, vector<32x8x2048xi32>
      %mul3A = arith.constant 2048 : i32
      %mul3A_46 = vector.broadcast %mul3A : i32 to vector<32x8x2048xi32>
      %mul3A_47 = arith.muli %get3A_45, %mul3A_46 : vector<32x8x2048xi32>
      %add3A = arith.addi %mul3A_47, %iota3A_41 : vector<32x8x2048xi32>
      %swap3A_48 = arith.constant 0 : index
      %swap3A_49 = arith.constant 0 : index
      %swap3A_50 = vector.load %arg5[%swap3A_48, %swap3A_49] : memref<32x8xf32, #tpu.memory_space<vmem>>, vector<32x8xf32>
      tpu.vector_store %arg5[%swap3A_48, %swap3A_49], %reduce_max3A_40 {strides = array<i32>} : memref<32x8xf32, #tpu.memory_space<vmem>>, vector<32x8xf32>,
      %broadcast_in_dim3A_51 = vector.shape_cast %reduce_max3A_40 : vector<32x8xf32> to vector<32x8x1xf32>
      %eq3A_52 = vector.broadcast %broadcast_in_dim3A_51 : vector<32x8x1xf32> to vector<32x8x2048xf32>
      %eq3A_53 = arith.cmpf oeq, %get3A_39, %eq3A_52 : vector<32x8x2048xf32>
      %jit3A_54 = arith.constant 32768 : i32
      %broadcast_in_dim3A_55 = vector.broadcast %jit3A_54 : i32 to vector<32x8x2048xi32>
      %select_n3A_56 = arith.select %eq3A_53, %add3A, %broadcast_in_dim3A_55 : vector<32x8x2048xi1>, vector<32x8x2048xi32>
      %reduce_min3A_57 = arith.constant dense<2147483647> : vector<32x8xi32>
      %reduce_min3A_58 = vector.multi_reduction <minsi>, %select_n3A_56, %reduce_min3A_57 [2] : vector<32x8x2048xi32> to vector<32x8xi32>
      %swap3A_59 = arith.constant 0 : index
      %swap3A_60 = arith.constant 0 : index
      %swap3A_61 = vector.load %arg6[%swap3A_59, %swap3A_60] : memref<32x8xi32, #tpu.memory_space<vmem>>, vector<32x8xi32>
      tpu.vector_store %arg6[%swap3A_59, %swap3A_60], %reduce_min3A_58 {strides = array<i32>} : memref<32x8xi32, #tpu.memory_space<vmem>>, vector<32x8xi32>,
    } else {
    }
    return
  }
  func.func @transform_0(%arg0: i32) -> (i32, i32, i32) {
    %c0_i32 = arith.constant 0 : i32
    %c0_i32_0 = arith.constant 0 : i32
    %c0_i32_1 = arith.constant 0 : i32
    return %c0_i32, %c0_i32_0, %arg0 : i32, i32, i32
  }
  func.func @transform_1(%arg0: i32) -> (i32, i32, i32) {
    %c0_i32 = arith.constant 0 : i32
    %c0_i32_0 = arith.constant 0 : i32
    %c0_i32_1 = arith.constant 0 : i32
    return %c0_i32, %c0_i32_0, %arg0 : i32, i32, i32
  }
  func.func @transform_2(%arg0: i32) -> (i32, i32) {
    %c0_i32 = arith.constant 0 : i32
    %c0_i32_0 = arith.constant 0 : i32
    return %c0_i32, %arg0 : i32, i32
  }
  func.func @transform_3(%arg0: i32) -> (i32, i32) {
    %c0_i32 = arith.constant 0 : i32
    %c0_i32_0 = arith.constant 0 : i32
    return %c0_i32, %arg0 : i32, i32
  }
  func.func @transform_4(%arg0: i32) -> (i32, i32) {
    %c0_i32 = arith.constant 0 : i32
    %c0_i32_0 = arith.constant 0 : i32
    %c0_i32_1 = arith.constant 0 : i32
    return %c0_i32, %c0_i32_0 : i32, i32
  }
  func.func @transform_5(%arg0: i32) -> (i32, i32) {
    %c0_i32 = arith.constant 0 : i32
    %c0_i32_0 = arith.constant 0 : i32
    %c0_i32_1 = arith.constant 0 : i32
    return %c0_i32, %c0_i32_0 : i32, i32
  }
}

module attributes {stable_mosaic.version = 14 : i64} {
  func.func @_merge_body(%arg0: memref<32x8xf32, #tpu.memory_space<vmem>>, %arg1: memref<32x8xi32, #tpu.memory_space<vmem>>, %arg2: memref<32x8x16xf32, #tpu.memory_space<vmem>>, %arg3: memref<32x8x16xi32, #tpu.memory_space<vmem>>, %arg4: memref<32x8xi32, #tpu.memory_space<vmem>>) attributes {dimension_semantics = [], scalar_prefetch = 0 : i64, scratch_operands = 0 : i64, tpu.core_type = #tpu.core_type<tc>} {
    %get3A = arith.constant 0 : index
    %get3A_0 = arith.constant 0 : index
    %get3A_1 = arith.constant 0 : index
    %get3A_2 = vector.load %arg2[%get3A, %get3A_0, %get3A_1] : memref<32x8x16xf32, #tpu.memory_space<vmem>>, vector<32x8x16xf32>
    %get3A_3 = arith.constant 0 : index
    %get3A_4 = arith.constant 0 : index
    %get3A_5 = arith.constant 0 : index
    %get3A_6 = vector.load %arg3[%get3A_3, %get3A_4, %get3A_5] : memref<32x8x16xi32, #tpu.memory_space<vmem>>, vector<32x8x16xi32>
    %reduce_max3A = arith.constant dense<0xFF800000> : vector<32x8xf32>
    %reduce_max3A_7 = vector.multi_reduction <maximumf>, %get3A_2, %reduce_max3A [2] : vector<32x8x16xf32> to vector<32x8xf32>
    %broadcast_in_dim3A = vector.shape_cast %reduce_max3A_7 : vector<32x8xf32> to vector<32x8x1xf32>
    %eq3A = vector.broadcast %broadcast_in_dim3A : vector<32x8x1xf32> to vector<32x8x16xf32>
    %eq3A_8 = arith.cmpf oeq, %get3A_2, %eq3A : vector<32x8x16xf32>
    %jit3A = arith.constant 32768 : i32
    %broadcast_in_dim3A_9 = vector.broadcast %jit3A : i32 to vector<32x8x16xi32>
    %select_n3A = arith.select %eq3A_8, %get3A_6, %broadcast_in_dim3A_9 : vector<32x8x16xi1>, vector<32x8x16xi32>
    %reduce_min3A = arith.constant dense<2147483647> : vector<32x8xi32>
    %reduce_min3A_10 = vector.multi_reduction <minsi>, %select_n3A, %reduce_min3A [2] : vector<32x8x16xi32> to vector<32x8xi32>
    %get3A_11 = arith.constant 0 : index
    %get3A_12 = arith.constant 0 : index
    %get3A_13 = vector.load %arg0[%get3A_11, %get3A_12] : memref<32x8xf32, #tpu.memory_space<vmem>>, vector<32x8xf32>
    %gt3A = arith.cmpf ogt, %reduce_max3A_7, %get3A_13 : vector<32x8xf32>
    %get3A_14 = arith.constant 0 : index
    %get3A_15 = arith.constant 0 : index
    %get3A_16 = vector.load %arg1[%get3A_14, %get3A_15] : memref<32x8xi32, #tpu.memory_space<vmem>>, vector<32x8xi32>
    %select_n3A_17 = arith.select %gt3A, %reduce_min3A_10, %get3A_16 : vector<32x8xi1>, vector<32x8xi32>
    %swap3A = arith.constant 0 : index
    %swap3A_18 = arith.constant 0 : index
    %swap3A_19 = vector.load %arg4[%swap3A, %swap3A_18] : memref<32x8xi32, #tpu.memory_space<vmem>>, vector<32x8xi32>
    tpu.vector_store %arg4[%swap3A, %swap3A_18], %select_n3A_17 {strides = array<i32>} : memref<32x8xi32, #tpu.memory_space<vmem>>, vector<32x8xi32>,
    return
  }
}

</mosaic_0001>

<sc_bundles>
// kernel: kernel.5.cloned.1.call-start
scs
__scs_entry_jumppad:
0x0: {  	(pc) =	sbr.rel $0x88, $3  }
0x1: {  	(tag) =	ssettag $0x0;
	lr =	simm.s32 $0x1  }
0x2: {  	[smem:$0x3F9F] =	sst lr;
	_ =	strace $0xD0000000  }
0x3: {  	_ = 	snop  }
0x4: {  	_ = 	snop  }
0x5: {  	_ = 	snop  }
0x6: {  	_ = 	snop  }
0x7: {  	_ = 	snop  }
__scs_overlays_trampoline_lowered:
0x8: {  	[smem:$0x3FAE] =	sst s0  }
0x9: {  	[smem:$0x3FAF] =	sst s1  }
0xa: {  	[smem:$0x3FB0] =	sst s2  }
0xb: {  	[smem:$0x3FB1] =	sst s3  }
0xc: {  	[smem:$0x3FB2] =	sst s4  }
0xd: {  	[smem:$0x3FB3] =	sst s5  }
0xe: {  	[smem:$0x3FB4] =	sst s6  }
0xf: {  	[smem:$0x3FB5] =	sst s7  }
0x10: {  	[smem:$0x3FB6] =	sst s8  }
0x11: {  	[smem:$0x3FB7] =	sst s9;
	s0 =	simm.s32 @!p0 $0x0  }
0x12: {  	s1 =	sld [smem:$0x3F9D];
	s0 =	simm.s32 @p0 $0x1  }
0x13: {  	[smem:$0x3FB8] =	sst s0;
	s0 =	simm.s32 @!p1 $0x0  }
0x14: {  	s2 =	sld [smem:$0x3F9C];
	s0 =	simm.s32 @p1 $0x1  }
0x15: {  	[smem:$0x3FB9] =	sst s0;
	s0 =	simm.s32 @!p2 $0x0  }
0x16: {  	s3 =	sld [smem:$0x3FDB];
	s0 =	simm.s32 @p2 $0x1  }
0x17: {  	s4 =	simm.s32 $0x1BF5;
	[smem:$0x3FBB] =	sst s0  }
0x18: {  	s0 =	sld [smem:$0x3F9E];
	_ =	swait.ge [sflag:s4], $0x0  }
0x19: {  	s7 =	sld [smem:$0x3F9F]  }
0x1a: {  	s8 =	sadd.s32 $0xFFFFE003, lr  }
0x1b: {  	s9 =	sadd.s32 $0xFFFFFEF7, lr;
	s5 =	simm.s32 $0xFFFFFFFF;
	p2 =	slt.u32 s8, $0xFFFFF086  }
0x1c: {  	p1 =	slt.u32 s9, $0xF7A;
	s5 =	simm.s32 @!p2 $0x0  }
0x1d: {  	s5 =	simm.s32 @p1 $0x1;
	p0 =	seq.s32 s7, s2  }
0x1e: {  	s7 =	smul.u32 @!p0 $0xF7A, s2;
	p2 =	seq.s32 @!p0 s5, $0x0  }
0x1f: {  	s9 =	smul.u32 $0xF7A, s1;
	s8 =	simm.s32 @!p0 $0x1BF5;
	p2 =	por !p2, p0  }
0x20: {  	[sflag:s8] =	ssyncset.s32 @!p0 $0xFFFFF086;
	s6 =	sadd.s32 @!p0 s3, s7;
	s7 =	simm.s32 @!p0 $0x108  }
0x21: {  	s3 =	sadd.s32 s3, s9;
	s6 =	sadd.s32 @!p0 $0x88, s6;
	s7 =	simm.s32 @p2 $0x1082  }
0x22: {  	[simem:s7], [sflag:s8] =	dma.local @!p0 [hbm:s6], $0xF7A  }
0x23: {  	s9 =	sor.u32 $0xD0000000, s2;
	s6 =	simm.s32 $0x108;
	_ =	swait.ge @!p0 [sflag:s8], $0x0  }
0x24: {  	s3 =	sadd.s32 $0x88, s3;
	s6 =	simm.s32 @!p1 $0x1082;
	[sflag:s4] =	ssyncset.s32 $0xFFFFF086  }
0x25: {  	[simem:s6], [sflag:s4] =	dma.local [hbm:s3], $0xF7A  }
0x26: {  	[smem:$0x3F9F] =	sst s1;
	(tag) =	ssettag s2;
	_ =	strace s9  }
0x27: {  	s1 =	sld [smem:$0x3FAF]  }
0x28: {  	s2 =	sld [smem:$0x3FB0]  }
0x29: {  	s4 =	sld [smem:$0x3FB2]  }
0x2a: {  	p0 =	seq.s32 s5, $0x0;
	s5 =	sld [smem:$0x3FB3]  }
0x2b: {  	s6 =	sld [smem:$0x3FB4]  }
0x2c: {  	s7 =	sld [smem:$0x3FB5]  }
0x2d: {  	s3 =	simm.s32 $0x108;
	s8 =	sld [smem:$0x3FB6]  }
0x2e: {  	s3 =	simm.s32 @!p0 $0x1082;
	s9 =	sld [smem:$0x3FB7]  }
0x2f: {  	lr =	sadd.s32 s0, s3;
	s0 =	sld [smem:$0x3FAE]  }
0x30: {  	s3 =	sld [smem:$0x3FB1]  }
0x31: {  	[smem:$0x3FBA] =	sst s10  }
0x32: {  	s10 =	sld [smem:$0x3FB8];
	_ =	sdelay $0x3  }
0x33: {  	p0 =	seq.s32 s10, $0x1;
	s10 =	sld [smem:$0x3FBA];
	_ =	sdelay $0x3  }
0x34: {  	[smem:$0x3FBA] =	sst s10  }
0x35: {  	s10 =	sld [smem:$0x3FB9];
	_ =	sdelay $0x3  }
0x36: {  	p1 =	seq.s32 s10, $0x1;
	s10 =	sld [smem:$0x3FBA];
	_ =	sdelay $0x3  }
0x37: {  	[smem:$0x3FBA] =	sst s10  }
0x38: {  	s10 =	sld [smem:$0x3FBB]  }
0x39: {  	_ = 	snop;
	(pc) =	sbr.ind lr, $3  }
0x3a: {  	_ = 	snop  }
0x3b: {  	_ = 	snop  }
0x3c: {  	p2 =	seq.s32 s10, $0x1;
	s10 =	sld [smem:$0x3FBA]  }
0x3d: {  	_ =	shalt  }
0x3e: {  	_ =	shalt  }
0x3f: {  	_ =	shalt  }
0x40: {  	_ =	shalt  }
0x41: {  	_ =	shalt  }
0x42: {  	_ =	shalt  }
0x43: {  	_ =	shalt  }
0x44: {  	_ =	shalt  }
0x45: {  	_ =	shalt  }
0x46: {  	_ =	shalt  }
0x47: {  	_ =	shalt  }
0x48: {  	_ =	shalt  }
0x49: {  	_ =	shalt  }
0x4a: {  	_ =	shalt  }
0x4b: {  	_ =	shalt  }
0x4c: {  	_ =	shalt  }
0x4d: {  	_ =	shalt  }
0x4e: {  	_ =	shalt  }
0x4f: {  	_ =	shalt  }
0x50: {  	_ =	shalt  }
0x51: {  	_ =	shalt  }
0x52: {  	_ =	shalt  }
0x53: {  	_ =	shalt  }
0x54: {  	_ =	shalt  }
0x55: {  	_ =	shalt  }
0x56: {  	_ =	shalt  }
0x57: {  	_ =	shalt  }
0x58: {  	_ =	shalt  }
0x59: {  	_ =	shalt  }
0x5a: {  	_ =	shalt  }
0x5b: {  	_ =	shalt  }
0x5c: {  	_ =	shalt  }
0x5d: {  	_ =	shalt  }
0x5e: {  	_ =	shalt  }
0x5f: {  	_ =	shalt  }
0x60: {  	_ =	shalt  }
0x61: {  	_ =	shalt  }
0x62: {  	_ =	shalt  }
0x63: {  	_ =	shalt  }
0x64: {  	_ =	shalt  }
0x65: {  	_ =	shalt  }
0x66: {  	_ =	shalt  }
0x67: {  	_ =	shalt  }
0x68: {  	_ =	shalt  }
0x69: {  	_ =	shalt  }
0x6a: {  	_ =	shalt  }
0x6b: {  	_ =	shalt  }
0x6c: {  	_ =	shalt  }
0x6d: {  	_ =	shalt  }
0x6e: {  	_ =	shalt  }
0x6f: {  	_ =	shalt  }
0x70: {  	_ =	shalt  }
0x71: {  	_ =	shalt  }
0x72: {  	_ =	shalt  }
0x73: {  	_ =	shalt  }
0x74: {  	_ =	shalt  }
0x75: {  	_ =	shalt  }
0x76: {  	_ =	shalt  }
0x77: {  	_ =	shalt  }
0x78: {  	_ =	shalt  }
0x79: {  	_ =	shalt  }
0x7a: {  	_ =	shalt  }
0x7b: {  	_ =	shalt  }
0x7c: {  	_ =	shalt  }
0x7d: {  	_ =	shalt  }
0x7e: {  	_ =	shalt  }
0x7f: {  	_ =	shalt  }
0x80: {  	_ =	shalt  }
0x81: {  	_ =	shalt  }
0x82: {  	_ =	shalt  }
0x83: {  	_ =	shalt  }
0x84: {  	_ =	shalt  }
0x85: {  	_ =	shalt  }
0x86: {  	_ =	shalt  }
0x87: {  	_ =	shalt  }
.Lfunc_end0:
.L_simem_size_0:
called_computation_lowered:
.L_overlay_start_0:
0x88: {  	s2 =	sld [smem:$0x3FD9]  }
0x89: {  	s3 =	sld [smem:$0x3FFE];
	_ =	sdelay $0x1  }
0x8a: {  	s1 =	srdreg.scid  }
0x8b: {  	s0 =	sand.u32 $0x1, s1  }
0x8c: {  	s14 =	sshll.u32 s0, $0xA;
	s2 =	sadd.s32 s3, s2  }
0x8d: {  	s2 =	sadd.s32 s2, s14  }
0x8e: {  	[smem:$0x3FC6] =	sst s2  }
0x8f: {  	_ = 	snop  }
0x90: {  	s2 =	sld [smem:$0x3FD0];
	_ =	sdelay $0x1  }
0x91: {  	s15 =	sld [smem:$0x3FC9]  }
0x92: {  	s5 =	simm.s32 $0xA;
	s6 =	simm.s32 $0x10;
	s4 =	sld [smem:$0x3FC8]  }
0x93: {  	[smem:s6], [sflag:s5] =	dma.local [hbm:s2], $0x1  }
0x94: {  	_ =	swait.eq [sflag:s5], $0x1  }
0x95: {  	[sflag:s5] =	ssyncset.done $0x0  }
0x96: {  	s16 =	sld [smem:$0x10];
	[sflag:s5] =	ssyncadd.s32 $0xFFFFFFFF  }
0x97: {  	s17 =	sld [smem:$0x11];
	(tm) =	ssettm $0x1  }
0x98: {  	s18 =	sld [smem:$0x3FFB];
	_ =	sdelay $0x3  }
0x99: {  	_ =	strace s18  }
0x9a: {  	s6 =	sld [smem:$0x3FFC];
	_ =	sdelay $0x3  }
0x9b: {  	_ =	strace s6  }
0x9c: {  	s6 =	sld [smem:$0x3FFD];
	_ =	sdelay $0x3  }
0x9d: {  	_ =	strace s6  }
0x9e: {  	_ =	strace $0x8FFFFFFF  }
0x9f: {  	s19 =	sld [smem:$0x3FDB];
	_ =	sdelay $0x1  }
0xa0: {  	s7 =	simm.s32 $_scs_section_size  }
0xa1: {  	s8 =	simm.s32 $_size__tile_overlayer_lowered;
	s9 =	simm.s32 $_tile_overlayer_lowered  }
0xa2: {  	s22 =	simm.s32 $0x1BFF;
	s21 =	sshll.u32 s9, $0x1;
	s6 =	sadd.s32 s7, s19  }
0xa3: {  	s10 =	simm.s32 $0x0;
	s20 =	sshll.u32 s8, $0x1;
	s8 =	sadd.s32 s21, s6  }
0xa4: {  	[timem:s10], [sflag:s22] =	dma.local [hbm:s8], s20  }
0xa5: {  	_ =	swait.ge [sflag:s22], s20  }
0xa6: {  	s7 =	ssub.s32 $0x0, s20;
	[sflag:s22] =	ssyncset.done $0x0  }
0xa7: {  	[sflag:s22] =	ssyncadd.s32 s7;
	_ =	sdelay $0x1  }
0xa8: {  	s23 =	simm.s32 $0x1B8B  }
0xa9: {  	_ =	swait.ge [sflag:s23], $0x1  }
0xaa: {  	[sflag:s23] =	ssyncset.done $0x0  }
0xab: {  	s25 =	simm.s32 $0x1B8E;
	s24 =	sld [smem:$0x3FFE];
	[sflag:s23] =	ssyncadd.s32 $0xFFFFFFFF  }
0xac: {  	s26 =	simm.s32 $execute0_lowered;
	[smem:$0x3FD2] =	sst s25  }
0xad: {  	s8 =	sshll.u32 s26, $0x1;
	_ =	strace $0x80000046;
	[dreg:$0x1] =	wrdreg $0xFFFFFFFF  }
0xae: {  	s28 =	simm.s32 $_size_execute0_lowered;
	s6 =	sadd.s32 s6, s8;
	[dreg:$0x0] =	wrdreg $0x0  }
0xaf: {  	s8 =	sshll.u32 s28, $0x1;
	[dreg:$0x2] =	wrdreg s6  }
0xb0: {  	[dreg:$0x3] =	wrdreg s8  }
0xb1: {  	[dreg:$0x4] =	wrdreg $0xC0  }
0xb2: {  	_ =	task [dreg:s10], $0x5FFFF  }
0xb3: {  	[dreg:$0x1] =	wrdreg $0xFFFFFFFF  }
0xb4: {  	[dreg:$0x0] =	wrdreg $0x60  }
0xb5: {  	[dreg:$0x2] =	wrdreg s15  }
0xb6: {  	[dreg:$0x3] =	wrdreg s4  }
0xb7: {  	[dreg:$0x4] =	wrdreg s24  }
0xb8: {  	[dreg:$0x5] =	wrdreg s17  }
0xb9: {  	[dreg:$0x6] =	wrdreg s16  }
0xba: {  	[dreg:$0x7] =	wrdreg $0x9  }
0xbb: {  	_ =	task.clear_ibuf [dreg:s10], $0x8FFFF;
	_ =	strace $0x90000046  }
0xbc: {  	s29 =	simm.s32 $0x9;
	_ =	strace $0x80000048  }
0xbd: {  	_ =	swait.ge [sflag:s29], $0x1  }
0xbe: {  	[sflag:s29] =	ssyncadd.s32 $0xFFFFFFFF  }
0xbf: {  	_ =	strace $0x90000048  }
0xc0: {  	_ =	sfence  }
0xc1: {  	s30 =	sld [smem:$0x0];
	_ =	sdelay $0x2  }
0xc2: {  	s31 =	sshll.u32 s1, $0xD;
	s1 =	sshrl.u32 s1, $0x2  }
0xc3: {  	s3 =	sand.u32 $0x4000, s31;
	s1 =	sadd.s32 s1, s30  }
0xc4: {  	s0 =	sor.u32 s3, s0;
	s1 =	sshll.u32 s1, $0x11  }
0xc5: {  	s0 =	sor.u32 s1, s0  }
0xc6: {  	s0 =	sadd.s32 $0x8F2B, s0  }
0xc7: {  	[sflag:s0] =	ssyncadd.remote.s32 $0x1  }
0xc8: {  	_ =	sfence.sel $0xFFFF  }
0xc9: {  	[dreg:$0x0] =	wrdreg $0xFFFFFFFF;
	(pc) =	sbr.abs _section_cstart, $3  }
0xca: {  	[dreg:$0x1] =	wrdreg $0xFFFFFFFF  }
0xcb: {  	_ =	task.clear_ibuf [dreg:s10], $0x2FFFF;
	_ =	strace $0x9FFFFFFF  }
0xcc: {  	(tm) =	ssettm $0x7FFFFFFF  }
0xcd: {  	_ =	shalt  }
tec
execute0_lowered:
.L_overlay_start_1:
0x0: {  	(tag) =	ssettag $0x1  }
0x1: {  	s1 =	rddreg [dreg:$0x0]  }
0x2: {  	s2 =	rddreg [dreg:$0x1]  }
0x3: {  	s6 =	rddreg [dreg:$0x2]  }
0x4: {  	s10 =	rddreg [dreg:$0x3]  }
0x5: {  	s11 =	rddreg [dreg:$0x4]  }
0x6: {  	s4 =	simm.s32 $0x0;
	s5 =	srdreg.scid;
	s3 =	stileid.u32  }
0x7: {  	s15 =	simm.s32 $0x80;
	s16 =	simm.s32 $0x400;
	s17 =	simm.s32 $0x8000  }
0x8: {  	s18 =	simm.s32 $0x8800;
	s19 =	simm.s32 $0x9000;
	s20 =	simm.s32 $0x9400  }
0x9: {  	s21 =	simm.s32 $0x0;
	[smem:$0x7FF] =	sst s4;
	s7 =	sand.u32 $0x1, s5  }
0xa: {  	s5 =	sadd.s32 $0x1000, s6;
	s9 =	sshll.u32 s3, $0x1;
	s6 =	sadd.s32 $0x11000, s6  }
0xb: {  	_ =	strace $0x80000047;
	s8 =	ssub.s32 $0x2, s7;
	s13 =	sor.u32 s7, s9  }
0xc: {  	s12 =	sshrl.u32 s8, $0x1;
	s7 =	sshll.u32 s13, $0xF;
	s14 =	sshll.u32 s13, $0x4  }
0xd: {  	s13 =	sshll.u32 s13, $0x7;
	s12 =	ssub.s32 s8, s12;
	s8 =	sand.u32 $0x18, s9  }
0xe: {  	s9 =	sand.u32 $0x70, s14;
	s10 =	sadd.s32 s10, s13;
	s11 =	sadd.s32 s11, s13  }
0xf: {  	v0 =	vimm.f32 $-Inf;
	v1 =	vimm.s32 $0x0;
	v2 =	vlaneseq.u32;
	s13 =	simm.s32 $0x1;
	s14 =	simm.s32 $0x4000;
	s12 =	smax.u32 s12, $0x1  }
.LBB2_1:
0x10: {  	[tilespmem:$0x9000] =	vst v0  }
0x11: {  	[tilespmem:$0x9400] =	vst v1  }
0x12: {  	[tilespmem:$0x9080] =	vst v0  }
0x13: {  	[tilespmem:$0x9480] =	vst v1  }
0x14: {  	[tilespmem:$0x9100] =	vst v0  }
0x15: {  	[tilespmem:$0x9500] =	vst v1  }
0x16: {  	[tilespmem:$0x9180] =	vst v0  }
0x17: {  	[tilespmem:$0x9580] =	vst v1  }
0x18: {  	[tilespmem:$0x9200] =	vst v0  }
0x19: {  	[tilespmem:$0x9600] =	vst v1  }
0x1a: {  	[tilespmem:$0x9280] =	vst v0  }
0x1b: {  	[tilespmem:$0x9680] =	vst v1  }
0x1c: {  	[tilespmem:$0x9300] =	vst v0  }
0x1d: {  	[tilespmem:$0x9700] =	vst v1  }
0x1e: {  	[tilespmem:$0x9380] =	vst v0  }
0x1f: {  	[tilespmem:$0x9780] =	vst v1;
	s22 =	simm.s32 $0x4000;
	s23 =	simm.s32 $0x0  }
.LBB2_2:
0x20: {  	s24 =	sshll.u32 s23, $0xB  }
0x21: {  	s24 =	sadd.s32 s7, s24  }
0x22: {  	s25 =	sadd.s32 $0x4000, s24  }
0x23: {  	s24 =	simm.s32 $0x0;
	s26 =	sadd.s32 s1, s25  }
0x24: {  	[tilespmem:s24], [sflag:$0x1] =	stream.linear.gather [hbm4b:s26+s24], $0x4000, $0x38;
	[tilespmem:$0x9800] =	vst v63  }
0x25: {  	_ =	swait.ge [sflag:s13], $0x4000  }
0x26: {  	[sflag:s13] =	ssyncset.done $0x0  }
0x27: {  	s25 =	sadd.s32 s2, s25;
	[sflag:s13] =	ssyncadd.s32 $0xFFFFC000  }
0x28: {  	[tilespmem:s14], [sflag:$0x1] =	stream.linear.gather [hbm4b:s25+s24], $0x4000, $0x38;
	[tilespmem:$0x9800] =	vst v63  }
0x29: {  	_ =	swait.ge [sflag:s13], $0x4000  }
0x2a: {  	[sflag:s13] =	ssyncset.done $0x0  }
0x2b: {  	[sflag:s13] =	ssyncadd.s32 $0xFFFFC000  }
0x2c: {  	v4 =	vld [tilespmem:$0x9000]  }
0x2d: {  	v3 =	vld [tilespmem:$0x9080]  }
0x2e: {  	v5 =	vld [tilespmem:$0x9100]  }
0x2f: {  	v9 =	vld [tilespmem:$0x9180]  }
0x30: {  	v11 =	vld [tilespmem:$0x9200]  }
0x31: {  	v13 =	vld [tilespmem:$0x9280]  }
0x32: {  	v14 =	vld [tilespmem:$0x9300]  }
0x33: {  	v16 =	vld [tilespmem:$0x9380]  }
0x34: {  	v6 =	vld [tilespmem:$0x9400]  }
0x35: {  	v7 =	vld [tilespmem:$0x9480]  }
0x36: {  	v8 =	vld [tilespmem:$0x9500]  }
0x37: {  	v10 =	vld [tilespmem:$0x9580]  }
0x38: {  	s0 =	sand.u32 $0x3C00, s24;
	s26 =	sand.u32 $0x70, s24;
	v12 =	vld [tilespmem:$0x9600]  }
0x39: {  	s25 =	sor.u32 s26, s0;
	v18 =	vld [tilespmem:$0x9680]  }
0x3a: {  	v15 =	vld [tilespmem:s25+$0x80]  }
0x3b: {  	v17 =	vld [tilespmem:s25+$0x0]  }
0x3c: {  	v19 =	vld [tilespmem:s25+$0x4280]  }
0x3d: {  	v20 =	vld [tilespmem:s25+$0x100]  }
0x3e: {  	v22 =	vld [tilespmem:s25+$0x180]  }
0x3f: {  	v23 =	vld [tilespmem:s25+$0x4080]  }
0x40: {  	v25 =	vld [tilespmem:s25+$0x200];
	vm0 =	vlt.f32 v15, v17  }
0x41: {  	s0 =	sadd.s32 $0x0, s22;
	v28 =	vld [tilespmem:s25+$0x280];
	v24 =	vsel vm0, v15, v17  }
0x42: {  	v26 =	vor.u32 s0, v2;
	v58 =	vld [tilespmem:s25+$0x300];
	vm1 =	vlt.f32 v20, v24  }
0x43: {  	s0 =	sand.u32 $0x7, s24;
	v27 =	vld [tilespmem:s25+$0x4000];
	vm2 =	vgt.f32 v15, v3;
	vm3 =	vgt.f32 v17, v4;
	v24 =	vsel vm1, v20, v24  }
0x44: {  	s26 =	sshll.u32 s0, $0x4;
	vm6 =	vgt.f32 v20, v5;
	v3 =	vsel vm2, v15, v3;
	v15 =	vld [tilespmem:s25+$0x4100];
	vm4 =	vlt.f32 v22, v24  }
0x45: {  	s26 =	sadd.s32 $0x0, s26;
	v21 =	vld [tilespmem:s25+$0x4180];
	vm8 =	vgt.f32 v22, v9;
	v4 =	vsel vm3, v17, v4;
	v17 =	vsel vm4, v22, v24  }
0x46: {  	s26 =	sor.u32 $0x380, s26;
	vm10 =	vgt.f32 v25, v11;
	v5 =	vsel vm6, v20, v5;
	v20 =	vld [tilespmem:s25+$0x4200];
	vm7 =	vlt.f32 v25, v17  }
0x47: {  	v29 =	vld [tilespmem:s26+$0x0];
	vm13 =	vgt.f32 v28, v13;
	vm14 =	vgt.f32 v58, v14;
	v17 =	vsel vm7, v25, v17  }
0x48: {  	v60 =	vld [tilespmem:s25+$0x4300];
	v6 =	vsel vm3, v26, v6;
	v59 =	vsel vm0, v23, v27;
	vm9 =	vlt.f32 v28, v17  }
0x49: {  	v61 =	vld [tilespmem:s26+$0x4000];
	v7 =	vsel vm2, v26, v7;
	v15 =	vsel vm1, v15, v59;
	v17 =	vsel vm9, v28, v17  }
0x4a: {  	v63 =	vld [tilespmem:$0x9780];
	v8 =	vsel vm6, v26, v8;
	v15 =	vsel vm4, v21, v15;
	vm11 =	vlt.f32 v58, v17  }
0x4b: {  	v62 =	vld [tilespmem:$0x9700];
	v9 =	vsel vm8, v22, v9;
	v15 =	vsel vm7, v20, v15;
	v17 =	vsel vm11, v58, v17  }
0x4c: {  	v10 =	vsel vm8, v26, v10;
	v15 =	vsel vm9, v19, v15;
	vm12 =	vlt.f32 v29, v17  }
0x4d: {  	s28 =	simm.s32 $0x10;
	s29 =	simm.s32 $0x80;
	v11 =	vsel vm10, v25, v11;
	s25 =	simm.s32 $0x8000;
	v15 =	vsel vm11, v60, v15;
	v17 =	vsel vm12, v29, v17  }
0x4e: {  	s30 =	sand.u32 $0x70, s28;
	s31 =	sand.u32 $0x3C00, s29;
	s26 =	simm.s32 $0x8800;
	v12 =	vsel vm10, v26, v12;
	vm15 =	vgt.f32 v29, v16;
	v19 =	vsel vm12, v61, v15;
	[tilespmem:s25+$0x0] =	vst v17  }
0x4f: {  	s30 =	sor.u32 s30, s31;
	v18 =	vsel vm13, v26, v18;
	v15 =	vsel vm14, v58, v14;
	v14 =	vsel vm15, v26, v63;
	[tilespmem:s26+$0x0] =	vst v19  }
0x50: {  	s31 =	simm.s32 $0x20;
	v17 =	vsel vm13, v28, v13;
	v13 =	vsel vm15, v29, v16;
	v16 =	vsel vm14, v26, v62;
	v19 =	vld [tilespmem:s30+$0x80]  }
.LBB2_3:
0x51: {  	p0 =	sne.s32 s31, $0x7F0;
	v20 =	vld [tilespmem:s30+$0x0]  }
0x52: {  	v21 =	vld [tilespmem:s30+$0x4280]  }
0x53: {  	v22 =	vld [tilespmem:s30+$0x100]  }
0x54: {  	s0 =	sadd.s32 s28, s22;
	s28 =	smov.u32 s31;
	v23 =	vld [tilespmem:s30+$0x4180]  }
0x55: {  	v24 =	vor.u32 s0, v2;
	vm1 =	vgt.f32 v19, v3;
	v25 =	vld [tilespmem:s30+$0x180]  }
0x56: {  	vm2 =	vgt.f32 v20, v4;
	vm0 =	vlt.f32 v19, v20;
	v26 =	vld [tilespmem:s30+$0x4080];
	v3 =	vsel vm1, v19, v3  }
0x57: {  	v4 =	vsel vm2, v20, v4;
	v6 =	vsel vm2, v24, v6;
	v19 =	vsel vm0, v19, v20;
	v20 =	vld [tilespmem:s30+$0x200]  }
0x58: {  	s24 =	sadd.s32 $0x1, s24;
	v7 =	vsel vm1, v24, v7;
	v27 =	vld [tilespmem:s30+$0x4000];
	vm1 =	vlt.f32 v22, v19;
	vm2 =	vgt.f32 v22, v5  }
0x59: {  	s0 =	sand.u32 $0x7, s24;
	v19 =	vsel vm1, v22, v19;
	v5 =	vsel vm2, v22, v5;
	v8 =	vsel vm2, v24, v8;
	v22 =	vld [tilespmem:s30+$0x280]  }
0x5a: {  	s0 =	sshll.u32 s0, $0x4;
	v28 =	vld [tilespmem:s30+$0x4100];
	vm2 =	vlt.f32 v25, v19;
	vm3 =	vgt.f32 v25, v9  }
0x5b: {  	s0 =	sadd.s32 s0, s29;
	v19 =	vsel vm2, v25, v19;
	v9 =	vsel vm3, v25, v9;
	v10 =	vsel vm3, v24, v10;
	v25 =	vld [tilespmem:s30+$0x300]  }
0x5c: {  	s0 =	sor.u32 $0x380, s0;
	vm3 =	vlt.f32 v20, v19;
	v29 =	vld [tilespmem:s30+$0x4200];
	vm4 =	vgt.f32 v20, v11  }
0x5d: {  	v19 =	vsel vm3, v20, v19;
	v11 =	vsel vm4, v20, v11;
	v12 =	vsel vm4, v24, v12;
	v20 =	vld [tilespmem:s0+$0x0]  }
0x5e: {  	v26 =	vsel vm0, v26, v27;
	vm0 =	vlt.f32 v22, v19;
	vm4 =	vgt.f32 v22, v17;
	v27 =	vld [tilespmem:s30+$0x4300]  }
0x5f: {  	v26 =	vsel vm1, v28, v26;
	v19 =	vsel vm0, v22, v19;
	v17 =	vsel vm4, v22, v17;
	v22 =	vld [tilespmem:s0+$0x4000]  }
0x60: {  	v23 =	vsel vm2, v23, v26;
	vm1 =	vlt.f32 v25, v19;
	vm2 =	vgt.f32 v25, v15  }
0x61: {  	v23 =	vsel vm3, v29, v23;
	v19 =	vsel vm1, v25, v19;
	v15 =	vsel vm2, v25, v15  }
.Ltmp0:
0x62: {  	v21 =	vsel vm0, v21, v23;
	vm0 =	vlt.f32 v20, v19;
	vm3 =	vgt.f32 v20, v13;
	(pc) =	sbr.rel @p0 .LBB2_3-.Ltmp0, $4  }
0x63: {  	s25 =	sadd.s32 $0x10, s25;
	s29 =	sadd.s32 $0x80, s29;
	v21 =	vsel vm1, v27, v21;
	v19 =	vsel vm0, v20, v19;
	v13 =	vsel vm3, v20, v13  }
0x64: {  	s26 =	sadd.s32 $0x10, s26;
	s30 =	sand.u32 $0x3C00, s29;
	s0 =	sand.u32 $0x70, s31;
	v18 =	vsel vm4, v24, v18;
	v14 =	vsel vm3, v24, v14;
	v20 =	vsel vm0, v22, v21;
	[tilespmem:s25+$0x0] =	vst v19  }
0x65: {  	s30 =	sor.u32 s0, s30;
	v16 =	vsel vm2, v24, v16;
	[tilespmem:s26+$0x0] =	vst v20  }
0x66: {  	s31 =	sadd.s32 $0x10, s31;
	v19 =	vld [tilespmem:s30+$0x80]  }
0x67: {  	v20 =	vld [tilespmem:s30+$0x0]  }
0x68: {  	v21 =	vld [tilespmem:s30+$0x4280]  }
0x69: {  	v22 =	vld [tilespmem:s30+$0x100]  }
0x6a: {  	v23 =	vld [tilespmem:s30+$0x4180]  }
0x6b: {  	v24 =	vld [tilespmem:s30+$0x180]  }
0x6c: {  	v25 =	vld [tilespmem:s30+$0x4080];
	vm0 =	vlt.f32 v19, v20  }
0x6d: {  	v27 =	vld [tilespmem:s30+$0x200];
	v26 =	vsel vm0, v19, v20  }
0x6e: {  	v28 =	vld [tilespmem:s30+$0x4000];
	s0 =	sadd.s32 $0x1, s24;
	vm1 =	vlt.f32 v22, v26  }
0x6f: {  	v29 =	vld [tilespmem:s30+$0x280];
	s0 =	sand.u32 $0x7, s0;
	v26 =	vsel vm1, v22, v26  }
0x70: {  	v30 =	vld [tilespmem:s30+$0x4100];
	s0 =	sshll.u32 s0, $0x4;
	vm2 =	vlt.f32 v24, v26  }
0x71: {  	v31 =	vld [tilespmem:s30+$0x300];
	s0 =	sadd.s32 s0, s29;
	v26 =	vsel vm2, v24, v26  }
0x72: {  	v32 =	vld [tilespmem:s30+$0x4200];
	s0 =	sor.u32 $0x380, s0;
	vm3 =	vlt.f32 v27, v26  }
0x73: {  	v33 =	vld [tilespmem:s0+$0x0];
	v26 =	vsel vm3, v27, v26  }
0x74: {  	v52 =	vld [tilespmem:s30+$0x4300];
	v25 =	vsel vm0, v25, v28;
	vm5 =	vlt.f32 v29, v26  }
0x75: {  	v53 =	vld [tilespmem:s0+$0x4000];
	v25 =	vsel vm1, v30, v25;
	v26 =	vsel vm5, v29, v26  }
0x76: {  	v23 =	vsel vm2, v23, v25;
	vm6 =	vlt.f32 v31, v26  }
0x77: {  	v23 =	vsel vm3, v32, v23;
	v54 =	vsel vm6, v31, v26  }
0x78: {  	v21 =	vsel vm5, v21, v23;
	vm7 =	vlt.f32 v33, v54  }
0x79: {  	s25 =	sadd.s32 $0x10, s25;
	v21 =	vsel vm6, v52, v21;
	v55 =	vsel vm7, v33, v54  }
0x7a: {  	s28 =	sadd.s32 s28, s22;
	s29 =	sadd.s32 $0x10, s26;
	vm8 =	vgt.f32 v20, v4;
	v21 =	vsel vm7, v53, v21;
	[tilespmem:s25+$0x0] =	vst v55  }
0x7b: {  	v56 =	vor.u32 s28, v2;
	v4 =	vsel vm8, v20, v4;
	[tilespmem:s29+$0x0] =	vst v21  }
0x7c: {  	vm9 =	vgt.f32 v19, v3;
	v6 =	vsel vm8, v56, v6;
	[tilespmem:$0x9000] =	vst v4  }
0x7d: {  	v3 =	vsel vm9, v19, v3;
	[tilespmem:$0x9400] =	vst v6  }
0x7e: {  	v57 =	vsel vm9, v56, v7;
	vm10 =	vgt.f32 v22, v5;
	[tilespmem:$0x9080] =	vst v3  }
0x7f: {  	vm11 =	vgt.f32 v24, v9;
	v58 =	vsel vm10, v56, v8;
	[tilespmem:$0x9480] =	vst v57  }
0x80: {  	vm12 =	vgt.f32 v27, v11;
	v59 =	vsel vm11, v56, v10;
	[tilespmem:$0x9500] =	vst v58  }
0x81: {  	vm13 =	vgt.f32 v29, v17;
	v60 =	vsel vm12, v56, v12;
	[tilespmem:$0x9580] =	vst v59  }
0x82: {  	vm14 =	vgt.f32 v31, v15;
	v61 =	vsel vm13, v56, v18;
	[tilespmem:$0x9600] =	vst v60  }
0x83: {  	v62 =	vsel vm14, v56, v16;
	vm15 =	vgt.f32 v33, v13;
	[tilespmem:$0x9680] =	vst v61  }
0x84: {  	v63 =	vsel vm15, v56, v14;
	[tilespmem:$0x9700] =	vst v62  }
0x85: {  	v3 =	vsel vm10, v22, v5;
	[tilespmem:$0x9780] =	vst v63  }
0x86: {  	[tilespmem:$0x9100] =	vst v3;
	v3 =	vsel vm11, v24, v9  }
0x87: {  	[tilespmem:$0x9180] =	vst v3;
	v3 =	vsel vm12, v27, v11  }
0x88: {  	s30 =	sadd.s32 s8, s23;
	[tilespmem:$0x9200] =	vst v3;
	v3 =	vsel vm13, v29, v17  }
0x89: {  	s0 =	sshll.u32 s30, $0xB;
	[tilespmem:$0x9280] =	vst v3;
	v3 =	vsel vm14, v31, v15  }
0x8a: {  	s0 =	sor.u32 s9, s0;
	[tilespmem:$0x9300] =	vst v3;
	v3 =	vsel vm15, v33, v13  }
0x8b: {  	s31 =	sadd.s32 s5, s0;
	[tilespmem:$0x9380] =	vst v3  }
0x8c: {  	[hbm4b:s31+s15] =	stream.strided.scatter [tilespmem:s17], [sflag:$0x1], $0x800, s16, s15, $0x38;
	[tilespmem:$0x9800] =	vst v63  }
0x8d: {  	s23 =	sadd.s32 $0x1, s23;
	_ =	swait.ge [sflag:s13], $0x800  }
0x8e: {  	p0 =	sne.s32 s23, $0x8;
	[sflag:s13] =	ssyncset.done $0x0  }
.Ltmp1:
0x8f: {  	s0 =	sadd.s32 s6, s0;
	[sflag:s13] =	ssyncadd.s32 $0xFFFFF800;
	(pc) =	sbr.rel @p0 .LBB2_2-.Ltmp1, $4  }
0x90: {  	[hbm4b:s0+s15] =	stream.strided.scatter [tilespmem:s18], [sflag:$0x1], $0x800, s16, s15, $0x38;
	[tilespmem:$0x9800] =	vst v63  }
0x91: {  	_ =	swait.ge [sflag:s13], $0x800  }
0x92: {  	[sflag:s13] =	ssyncset.done $0x0  }
0x93: {  	s22 =	sadd.s32 $0x800, s22;
	[sflag:s13] =	ssyncadd.s32 $0xFFFFF800  }
0x94: {  	[hbm4b:s10+s4] =	stream.linear.scatter [tilespmem:s19], [sflag:$0x1], $0x400, $0x38;
	[tilespmem:$0x9800] =	vst v63  }
0x95: {  	s21 =	sadd.s32 $0x1, s21;
	_ =	swait.ge [sflag:s13], $0x400  }
0x96: {  	p0 =	sne.s32 s21, s12;
	[sflag:s13] =	ssyncset.done $0x0  }
.Ltmp2:
0x97: {  	[sflag:s13] =	ssyncadd.s32 $0xFFFFFC00;
	(pc) =	sbr.rel @p0 .LBB2_1-.Ltmp2, $4  }
0x98: {  	[hbm4b:s11+s4] =	stream.linear.scatter [tilespmem:s20], [sflag:$0x1], $0x400, $0x38;
	[tilespmem:$0x9800] =	vst v63  }
0x99: {  	_ =	swait.ge [sflag:s13], $0x400  }
0x9a: {  	[sflag:s13] =	ssyncset.done $0x0  }
0x9b: {  	[sflag:s13] =	ssyncadd.s32 $0xFFFFFC00  }
0x9c: {  	_ =	sfence.sel $0x180000  }
0x9d: {  	[bflag:$0x0] =	sbarrier.arrive $0xFFFF  }
0x9e: {  	_ =	strace $0x90000047  }
0x9f: {  	[bflag:$0x2] =	sbarrier.arrive $0xFFFF  }
0xa0: {  	p0 =	sne.s32 s3, $0x0;
	s0 =	rddreg [dreg:$0x5]  }
0xa1: {  	s0 =	sadd.s32 @!p0 $0x100000, s0  }
0xa2: {  	[sflag:s0] =	ssyncadd.tile.s32 @!p0 $0x1;
	_ =	shalt  }
.Lfunc_end2:
_tile_overlayer_lowered:
.L_overlay_start_2:
0xa3: {  	(tag) =	ssettag $0x2  }
0xa4: {  	s0 =	rddreg [dreg:$0x0];
	s2 =	stileid.u32  }
0xa5: {  	s1 =	rddreg [dreg:$0x1];
	p0 =	sne.s32 s2, $0x0  }
0xa6: {  	s3 =	rddreg [dreg:$0x2];
	[bflag:$0x3] =	sbarrier.arrive $0xFFFF;
	s2 =	simm.s32 @!p0 $0x1C01  }
0xa7: {  	[timem:s3], [sflag:s2] =	dma.local @!p0 [hbm:s0], s1  }
0xa8: {  	s0 =	simm.s32 @!p0 $0x1  }
0xa9: {  	_ =	swait.ge @!p0 [sflag:s0], s1  }
0xaa: {  	s1 =	ssub.s32 @!p0 $0x0, s1;
	[sflag:s0] =	ssyncset.done @!p0 $0x0  }
0xab: {  	[sflag:s0] =	ssyncadd.s32 @!p0 s1  }
0xac: {  	[bflag:$0x3] =	sbarrier.arrive $0xFFFF  }
0xad: {  	_ =	shalt  }

</sc_bundles>
